<compile_context>
chip_gen: v7x
topology: tpu7x:2x2x1
jax: 0.10.2.dev20260603
libtpu: 0.0.44.dev20260713+nightly
codegen_flags: <defaults>
</compile_context>

<pallas_src>
import jax
import jax.numpy as jnp
from jax import lax
from jax.experimental import pallas as pl
from jax.experimental.pallas import tpu as pltpu
from jax.experimental.pallas import tpu_sc as plsc

_NC = 2
_NS = 16
_NW = _NC * _NS
_LANES = 128
_F0 = 0.50
_NB = 2
_G = 40


def _pre_make(n, d, e, p, n_pad):
    er = e // _LANES
    pad_rows = p - er

    def body(x_ref, w_ref, b_ref, ei_ref, y_ref, es_ref, ed_ref, z0_ref):
        y_ref[...] = jnp.maximum(
            jnp.dot(x_ref[...], w_ref[...], preferred_element_type=jnp.float32)
            + b_ref[...], 0.0)

        @pl.when(pl.program_id(0) == 0)
        def _():
            z0_ref[...] = jnp.zeros_like(z0_ref)
            iw = lax.broadcasted_iota(jnp.int32, (pad_rows, _LANES), 0)
            il = lax.broadcasted_iota(jnp.int32, (pad_rows, _LANES), 1)
            flat = iw * _LANES + il
            es_ref[:er] = ei_ref[:er]
            es_ref[er:] = flat % n
            ed_ref[:er] = ei_ref[er:]
            ed_ref[er:] = n + flat % (n_pad - n)

    blk = 2000
    return pl.pallas_call(
        body,
        grid=(n // blk,),
        in_specs=[
            pl.BlockSpec((blk, d), lambda i: (i, 0)),
            pl.BlockSpec((d, d), lambda i: (0, 0)),
            pl.BlockSpec((1, d), lambda i: (0, 0)),
            pl.BlockSpec((2 * er, _LANES), lambda i: (0, 0)),
        ],
        out_specs=[
            pl.BlockSpec((blk, d), lambda i: (i, 0)),
            pl.BlockSpec((p, _LANES), lambda i: (0, 0)),
            pl.BlockSpec((p, _LANES), lambda i: (0, 0)),
            pl.BlockSpec((n_pad // _NS, d), lambda i: (0, 0)),
        ],
        out_shape=[
            jax.ShapeDtypeStruct((n, d), jnp.float32),
            jax.ShapeDtypeStruct((p, _LANES), jnp.int32),
            jax.ShapeDtypeStruct((p, _LANES), jnp.int32),
            jax.ShapeDtypeStruct((n_pad // _NS, d), jnp.float32),
        ],
    )


def _mm_body(x_ref, w_ref, b_ref, o_ref):
    o_ref[...] = (
        jnp.dot(x_ref[...], w_ref[...], preferred_element_type=jnp.float32)
        + b_ref[...])


def _mm(body, x, W, b2):
    n, d = x.shape
    blk = 2000
    grid = n // blk
    return pl.pallas_call(
        body,
        grid=(grid,),
        in_specs=[
            pl.BlockSpec((blk, d), lambda i: (i, 0)),
            pl.BlockSpec((d, d), lambda i: (0, 0)),
            pl.BlockSpec((1, d), lambda i: (0, 0)),
        ],
        out_specs=pl.BlockSpec((blk, d), lambda i: (i, 0)),
        out_shape=jax.ShapeDtypeStruct((n, d), jnp.float32),
    )(x, W, b2)


def _post_body(p0_ref, p1_ref, z_ref, wu1_ref, h_ref):
    agg = p0_ref[0] + p1_ref[0]
    h_ref[...] = jnp.maximum(
        jnp.dot(agg, wu1_ref[...], preferred_element_type=jnp.float32) + z_ref[...],
        0.0)


def _post(parts, z, Wu1):
    n, d = z.shape
    blk = 2000
    grid = n // blk
    return pl.pallas_call(
        _post_body,
        grid=(grid,),
        in_specs=[
            pl.BlockSpec((1, blk, d), lambda i: (0, i, 0)),
            pl.BlockSpec((1, blk, d), lambda i: (1, i, 0)),
            pl.BlockSpec((blk, d), lambda i: (i, 0)),
            pl.BlockSpec((d, d), lambda i: (0, 0)),
        ],
        out_specs=pl.BlockSpec((blk, d), lambda i: (i, 0)),
        out_shape=jax.ShapeDtypeStruct((n, d), jnp.float32),
    )(parts, parts, z, Wu1)


def _sc_scatter(y, es, ed, zeros_pad, n, d, n_pad, k0, c0_chunks, base1):
    rows_out = n_pad // _NS

    def body(y_hbm, es_hbm, ed_hbm, zero_hbm, out_hbm, idx_s, idx_d, rows,
             agg_sh, *sems):
        c = lax.axis_index("c")
        s = lax.axis_index("s")

        nch = jnp.where(c == 0, k0, base1)
        start = pl.multiple_of(
            jnp.where(c == 0, s * k0, c0_chunks + base1 * s), 8)

        pltpu.sync_copy(es_hbm.at[pl.ds(start, _G)], idx_s)
        pltpu.sync_copy(ed_hbm.at[pl.ds(start, _G)], idx_d)
        for b in range(_NB):
            pltpu.async_copy(y_hbm.at[idx_s.at[b]], rows.at[b], sems[b])
        pltpu.sync_copy(zero_hbm,
                        agg_sh.at[pl.ds(s * rows_out, rows_out)])
        plsc.subcore_barrier()

        def group(g, carry):
            @pl.when(g != 0)
            def _():
                gb = start + g * _G
                pltpu.sync_copy(es_hbm.at[pl.ds(gb, _G)], idx_s)
                pltpu.sync_copy(ed_hbm.at[pl.ds(gb, _G)], idx_d)
                for b in range(_NB):
                    pltpu.async_copy(y_hbm.at[idx_s.at[b]], rows.at[b],
                                     sems[b])

            def step(i, c2):
                for b in range(_NB):
                    jj = i * _NB + b
                    pltpu.make_async_copy(y_hbm.at[idx_s.at[jj]],
                                          rows.at[b], sems[b]).wait()
                    pltpu.sync_copy(rows.at[b], agg_sh.at[idx_d.at[jj]],
                                    add=True)
                    nj = jj + _NB

                    @pl.when(nj < _G)
                    def _():
                        pltpu.async_copy(y_hbm.at[idx_s.at[nj]],
                                         rows.at[b], sems[b])
                return c2

            lax.fori_loop(0, _G // _NB, step, 0, unroll=False)
            return carry

        lax.fori_loop(0, nch // _G, group, 0, unroll=False)
        plsc.subcore_barrier()

        pltpu.sync_copy(agg_sh.at[pl.ds(s * rows_out, rows_out)],
                        out_hbm.at[c, pl.ds(s * rows_out, rows_out)])

    mesh = plsc.VectorSubcoreMesh(core_axis_name="c", subcore_axis_name="s")
    f = pl.kernel(
        body,
        out_type=jax.ShapeDtypeStruct((_NC, n_pad, d), jnp.float32),
        mesh=mesh,
        scratch_types=[
            pltpu.VMEM((_G, _LANES), jnp.int32),
            pltpu.VMEM((_G, _LANES), jnp.int32),
            pltpu.VMEM((_NB, _LANES, d), jnp.float32),
            pltpu.VMEM_SHARED((n_pad, d), jnp.float32),
        ] + [pltpu.SemaphoreType.DMA] * _NB,
    )
    return f(y, es, ed, zeros_pad)


def kernel(x, edge_index, Wm, bm, Wu, bu):
    n, d = x.shape
    e = edge_index.shape[1]

    p = -(-e // (_LANES * 128)) * 128
    c0_chunks = min(p - _NS * 8,
                    max(_NS * 8, int(round(_F0 * p / 128)) * 128))
    c1_chunks = p - c0_chunks
    k0 = c0_chunks // _NS
    base1 = c1_chunks // _NS
    n_pad = -(-(n + 1) // (_NS * 8)) * (_NS * 8)

    bm2 = bm.reshape(1, d)
    bu2 = bu.reshape(1, d)
    Wu1 = Wu[:d]
    Wu2 = Wu[d:]

    ei_rows = edge_index.reshape(2 * (e // _LANES), _LANES)
    y, es, ed, zeros_pad = _pre_make(n, d, e, p, n_pad)(x, Wm, bm2, ei_rows)
    z = _mm(_mm_body, x, Wu2, bu2)
    parts = _sc_scatter(y, es, ed, zeros_pad, n, d, n_pad, k0, c0_chunks,
                        base1)
    h = _post(parts, z, Wu1)
    return h

# --- scband reference (transcript-rebuilt; emitter-appended) ---
"""Pipeline reference for scband-gnn-model-197568496161 (READ-ONLY COPY).

The authoritative reference and input builder live on the scoring server;
editing this copy changes nothing except your own understanding.
"""

import jax, jax.numpy as jnp
import numpy as np

N = 10000
E = 320000
D = 128


def setup_inputs(seed: int = 0) -> dict:
    key = jax.random.key(seed)
    k1, k2, k3, k4, k5, k6 = jax.random.split(key, 6)
    x = jax.random.normal(k1, (N, D), dtype=jnp.float32)
    edge_index = jax.random.randint(k2, (2, E), 0, N, dtype=jnp.int32)
    # message-creation MLP weights (neural_network message formation op)
    Wm = jax.random.normal(k3, (D, D), dtype=jnp.float32) * (1.0 / np.sqrt(D))
    bm = jnp.zeros((D,), dtype=jnp.float32)
    # feed-forward update weights: input = concat(aggregated_msg, dst_state)
    Wu = jax.random.normal(k4, (2 * D, D), dtype=jnp.float32) * (1.0 / np.sqrt(2 * D))
    bu = jnp.zeros((D,), dtype=jnp.float32)
    return {"x": x, "edge_index": edge_index, "Wm": Wm, "bm": bm, "Wu": Wu, "bu": bu}


def reference(x, edge_index, Wm, bm, Wu, bu):
    # Single message-passing stage of the GNN:
    # 1) message creation: per-edge neural network applied to gathered source hidden states
    src = edge_index[0]
    dst = edge_index[1]
    src_states = jnp.take(x, src, axis=0)              # gather [E, D]
    messages = jax.nn.relu(src_states @ Wm + bm)       # message_creation NN
    # 2) aggregation: sum aggregation over destination nodes (scatter-add)
    agg = jax.ops.segment_sum(messages, dst, num_segments=N)  # [N, D]
    # 3) update: feed-forward update on concat(aggregated message, destination state)
    upd_in = jnp.concatenate([agg, x], axis=1)         # [N, 2D]
    h = jax.nn.relu(upd_in @ Wu + bu)                  # [N, D]
    return h

if __name__ == "__main__":
    import jax
    _d = setup_inputs()
    print(jax.jit(kernel)(*tuple(_d.values())))

</pallas_src>

<mosaic_0001>
#map = affine_map<(d0, d1) -> (0, 0)>
#map1 = affine_map<(d0, d1) -> (0, 0, 0)>
module attributes {stable_mosaic.version = 14 : i64} {
  func.func @body(%arg0: i32, %arg1: i32, %arg2: memref<10000x128xf32, #tpu.memory_space<hbm>>, %arg3: memref<2560x128xi32, #tpu.memory_space<hbm>>, %arg4: memref<2560x128xi32, #tpu.memory_space<hbm>>, %arg5: memref<632x128xf32, #tpu.memory_space<hbm>>, %arg6: memref<2x10112x128xf32, #tpu.memory_space<hbm>>, %arg7: memref<40x128xi32, #tpu.memory_space<vmem>>, %arg8: memref<40x128xi32, #tpu.memory_space<vmem>>, %arg9: memref<2x128x128xf32, #tpu.memory_space<vmem>>, %arg10: memref<10112x128xf32, #tpu.memory_space<vmem_shared>>, %arg11: memref<!tpu.dma_semaphore, #tpu.memory_space<semaphore_mem>>, %arg12: memref<!tpu.dma_semaphore, #tpu.memory_space<semaphore_mem>>) attributes {dimension_semantics = [#tpu.dimension_semantics<core_parallel>, #tpu.dimension_semantics<subcore_parallel>], iteration_bounds = array<i64: 2, 16>, scalar_prefetch = 0 : i64, scratch_operands = 6 : i64, tpu.core_type = #tpu.core_type<sc_vector_subcore>, window_params = [{transform_indices = #map}, {transform_indices = #map}, {transform_indices = #map}, {transform_indices = #map}, {transform_indices = #map1}]} {
    %eq3A = arith.constant 0 : i32
    %eq3A_0 = arith.cmpi eq, %arg0, %eq3A : i32
    %jit3A = arith.constant 80 : i32
    %jit3A_1 = arith.constant 80 : i32
    %select_n3A = arith.select %eq3A_0, %jit3A, %jit3A_1 : i32
    %eq3A_2 = arith.constant 0 : i32
    %eq3A_3 = arith.cmpi eq, %arg0, %eq3A_2 : i32
    %mul3A = arith.constant 80 : i32
    %mul3A_4 = arith.muli %arg1, %mul3A : i32
    %mul3A_5 = arith.constant 80 : i32
    %mul3A_6 = arith.muli %mul3A_5, %arg1 : i32
    %add3A = arith.constant 1280 : i32
    %add3A_7 = arith.addi %add3A, %mul3A_6 : i32
    %select_n3A_8 = arith.select %eq3A_3, %mul3A_4, %add3A_7 : i32
    %multiple_of3A = tpu.assume_multiple %select_n3A_8, 8 : i32
    "tpu.region"() ({
      %run_scoped3A = tpu.sem_alloc : memref<!tpu.dma_semaphore, #tpu.memory_space<semaphore_mem>>
      %dma_start3A_66 = arith.constant 0 : i32
      %dma_start3A_67 = tpu.memref_slice %arg3[%multiple_of3A, %dma_start3A_66] : memref<2560x128xi32, #tpu.memory_space<hbm>> -> memref<40x128xi32, #tpu.memory_space<hbm>>
      %dma_start3A_68 = arith.constant 0 : i32
      %dma_start3A_69 = tpu.memref_slice %arg3[%multiple_of3A, %dma_start3A_68] : memref<2560x128xi32, #tpu.memory_space<hbm>> -> memref<40x128xi32, #tpu.memory_space<hbm>>
      tpu.enqueue_dma source(%dma_start3A_69 : memref<40x128xi32, #tpu.memory_space<hbm>>) target(%arg7 : memref<40x128xi32, #tpu.memory_space<vmem>>) target_semaphore(%run_scoped3A : memref<!tpu.dma_semaphore, #tpu.memory_space<semaphore_mem>>)
      %dma_wait3A = arith.constant 0 : i32
      %dma_wait3A_70 = tpu.memref_slice %arg3[%multiple_of3A, %dma_wait3A] : memref<2560x128xi32, #tpu.memory_space<hbm>> -> memref<40x128xi32, #tpu.memory_space<hbm>>
      %dma_wait3A_71 = arith.constant 0 : i32
      %dma_wait3A_72 = tpu.memref_slice %arg3[%multiple_of3A, %dma_wait3A_71] : memref<2560x128xi32, #tpu.memory_space<hbm>> -> memref<40x128xi32, #tpu.memory_space<hbm>>
      tpu.wait_dma2 semaphore(%run_scoped3A : memref<!tpu.dma_semaphore, #tpu.memory_space<semaphore_mem>>) src(%dma_wait3A_72 : memref<40x128xi32, #tpu.memory_space<hbm>>) dst(%arg7 : memref<40x128xi32, #tpu.memory_space<vmem>>)
      tpu.yield
    }) : () -> ()
    "tpu.region"() ({
      %run_scoped3A = tpu.sem_alloc : memref<!tpu.dma_semaphore, #tpu.memory_space<semaphore_mem>>
      %dma_start3A_66 = arith.constant 0 : i32
      %dma_start3A_67 = tpu.memref_slice %arg4[%multiple_of3A, %dma_start3A_66] : memref<2560x128xi32, #tpu.memory_space<hbm>> -> memref<40x128xi32, #tpu.memory_space<hbm>>
      %dma_start3A_68 = arith.constant 0 : i32
      %dma_start3A_69 = tpu.memref_slice %arg4[%multiple_of3A, %dma_start3A_68] : memref<2560x128xi32, #tpu.memory_space<hbm>> -> memref<40x128xi32, #tpu.memory_space<hbm>>
      tpu.enqueue_dma source(%dma_start3A_69 : memref<40x128xi32, #tpu.memory_space<hbm>>) target(%arg8 : memref<40x128xi32, #tpu.memory_space<vmem>>) target_semaphore(%run_scoped3A : memref<!tpu.dma_semaphore, #tpu.memory_space<semaphore_mem>>)
      %dma_wait3A = arith.constant 0 : i32
      %dma_wait3A_70 = tpu.memref_slice %arg4[%multiple_of3A, %dma_wait3A] : memref<2560x128xi32, #tpu.memory_space<hbm>> -> memref<40x128xi32, #tpu.memory_space<hbm>>
      %dma_wait3A_71 = arith.constant 0 : i32
      %dma_wait3A_72 = tpu.memref_slice %arg4[%multiple_of3A, %dma_wait3A_71] : memref<2560x128xi32, #tpu.memory_space<hbm>> -> memref<40x128xi32, #tpu.memory_space<hbm>>
      tpu.wait_dma2 semaphore(%run_scoped3A : memref<!tpu.dma_semaphore, #tpu.memory_space<semaphore_mem>>) src(%dma_wait3A_72 : memref<40x128xi32, #tpu.memory_space<hbm>>) dst(%arg8 : memref<40x128xi32, #tpu.memory_space<vmem>>)
      tpu.yield
    }) : () -> ()
    %dma_start3A = arith.constant 0 : i32
    %dma_start3A_9 = arith.constant 0 : i32
    %dma_start3A_10 = arith.constant 0 : i32
    %dma_start3A_11 = arith.constant 0 : i32
    %dma_start3A_12 = tpu.memref_slice %arg9[%dma_start3A_9, %dma_start3A_10, %dma_start3A_11] : memref<2x128x128xf32, #tpu.memory_space<vmem>> -> memref<1x128x128xf32, #tpu.memory_space<vmem>>
    %dma_start3A_13 = tpu.memref_squeeze %dma_start3A_12 : memref<1x128x128xf32, #tpu.memory_space<vmem>> -> memref<128x128xf32, #tpu.memory_space<vmem>>
    %dma_start3A_14 = arith.constant 0 : i32
    %dma_start3A_15 = tpu.memref_slice %arg7[%dma_start3A, %dma_start3A_14] : memref<40x128xi32, #tpu.memory_space<vmem>> -> memref<1x128xi32, #tpu.memory_space<vmem>>
    %dma_start3A_16 = tpu.memref_squeeze %dma_start3A_15 : memref<1x128xi32, #tpu.memory_space<vmem>> -> memref<128xi32, #tpu.memory_space<vmem>>
    %dma_start3A_17 = arith.constant 0 : i32
    %dma_start3A_18 = arith.constant 0 : i32
    %dma_start3A_19 = tpu.memref_slice %arg2[%dma_start3A_17, %dma_start3A_18] : memref<10000x128xf32, #tpu.memory_space<hbm>> -> memref<10000x128xf32, #tpu.memory_space<hbm>>
    tpu.enqueue_indirect_dma source(%dma_start3A_19 : memref<10000x128xf32, #tpu.memory_space<hbm>>) target(%dma_start3A_13 : memref<128x128xf32, #tpu.memory_space<vmem>>) offsets(%dma_start3A_16 : memref<128xi32, #tpu.memory_space<vmem>>) semaphore(%arg11 : memref<!tpu.dma_semaphore, #tpu.memory_space<semaphore_mem>>)
    %dma_start3A_20 = arith.constant 1 : i32
    %dma_start3A_21 = arith.constant 1 : i32
    %dma_start3A_22 = arith.constant 0 : i32
    %dma_start3A_23 = arith.constant 0 : i32
    %dma_start3A_24 = tpu.memref_slice %arg9[%dma_start3A_21, %dma_start3A_22, %dma_start3A_23] : memref<2x128x128xf32, #tpu.memory_space<vmem>> -> memref<1x128x128xf32, #tpu.memory_space<vmem>>
    %dma_start3A_25 = tpu.memref_squeeze %dma_start3A_24 : memref<1x128x128xf32, #tpu.memory_space<vmem>> -> memref<128x128xf32, #tpu.memory_space<vmem>>
    %dma_start3A_26 = arith.constant 0 : i32
    %dma_start3A_27 = tpu.memref_slice %arg7[%dma_start3A_20, %dma_start3A_26] : memref<40x128xi32, #tpu.memory_space<vmem>> -> memref<1x128xi32, #tpu.memory_space<vmem>>
    %dma_start3A_28 = tpu.memref_squeeze %dma_start3A_27 : memref<1x128xi32, #tpu.memory_space<vmem>> -> memref<128xi32, #tpu.memory_space<vmem>>
    %dma_start3A_29 = arith.constant 0 : i32
    %dma_start3A_30 = arith.constant 0 : i32
    %dma_start3A_31 = tpu.memref_slice %arg2[%dma_start3A_29, %dma_start3A_30] : memref<10000x128xf32, #tpu.memory_space<hbm>> -> memref<10000x128xf32, #tpu.memory_space<hbm>>
    tpu.enqueue_indirect_dma source(%dma_start3A_31 : memref<10000x128xf32, #tpu.memory_space<hbm>>) target(%dma_start3A_25 : memref<128x128xf32, #tpu.memory_space<vmem>>) offsets(%dma_start3A_28 : memref<128xi32, #tpu.memory_space<vmem>>) semaphore(%arg12 : memref<!tpu.dma_semaphore, #tpu.memory_space<semaphore_mem>>)
    %mul3A_32 = arith.constant 632 : i32
    %mul3A_33 = arith.muli %arg1, %mul3A_32 : i32
    "tpu.region"() ({
      %run_scoped3A = tpu.sem_alloc : memref<!tpu.dma_semaphore, #tpu.memory_space<semaphore_mem>>
      %dma_start3A_66 = arith.constant 0 : i32
      %dma_start3A_67 = tpu.memref_slice %arg10[%mul3A_33, %dma_start3A_66] : memref<10112x128xf32, #tpu.memory_space<vmem_shared>> -> memref<632x128xf32, #tpu.memory_space<vmem_shared>>
      tpu.enqueue_dma source(%arg5 : memref<632x128xf32, #tpu.memory_space<hbm>>) target(%dma_start3A_67 : memref<632x128xf32, #tpu.memory_space<vmem_shared>>) target_semaphore(%run_scoped3A : memref<!tpu.dma_semaphore, #tpu.memory_space<semaphore_mem>>)
      %dma_wait3A = arith.constant 0 : i32
      %dma_wait3A_68 = tpu.memref_slice %arg10[%mul3A_33, %dma_wait3A] : memref<10112x128xf32, #tpu.memory_space<vmem_shared>> -> memref<632x128xf32, #tpu.memory_space<vmem_shared>>
      tpu.wait_dma2 semaphore(%run_scoped3A : memref<!tpu.dma_semaphore, #tpu.memory_space<semaphore_mem>>) src(%arg5 : memref<632x128xf32, #tpu.memory_space<hbm>>) dst(%dma_wait3A_68 : memref<632x128xf32, #tpu.memory_space<vmem_shared>>)
      tpu.yield
    }) : () -> ()
    %barrier3A = arith.constant 0 : index
    tpu.barrier barrier_id(%barrier3A)
    %jit3A_34 = arith.constant 40 : i32
    %div3A = arith.divsi %select_n3A, %jit3A_34 : i32
    %sign3A = arith.constant 0 : i32
    %sign3A_35 = arith.cmpi sgt, %select_n3A, %sign3A : i32
    %sign3A_36 = arith.extui %sign3A_35 : i1 to i32
    %sign3A_37 = arith.constant 0 : i32
    %sign3A_38 = arith.cmpi slt, %select_n3A, %sign3A_37 : i32
    %sign3A_39 = arith.extui %sign3A_38 : i1 to i32
    %sign3A_40 = arith.subi %sign3A_36, %sign3A_39 : i32
    %sign3A_41 = arith.constant 0 : i32
    %sign3A_42 = arith.cmpi sgt, %jit3A_34, %sign3A_41 : i32
    %sign3A_43 = arith.extui %sign3A_42 : i1 to i32
    %sign3A_44 = arith.constant 0 : i32
    %sign3A_45 = arith.cmpi slt, %jit3A_34, %sign3A_44 : i32
    %sign3A_46 = arith.extui %sign3A_45 : i1 to i32
    %sign3A_47 = arith.subi %sign3A_43, %sign3A_46 : i32
    %ne3A = arith.cmpi ne, %sign3A_40, %sign3A_47 : i32
    %rem3A = arith.remsi %select_n3A, %jit3A_34 : i32
    %ne3A_48 = arith.constant 0 : i32
    %ne3A_49 = arith.cmpi ne, %rem3A, %ne3A_48 : i32
    %and3A = arith.andi %ne3A, %ne3A_49 : i1
    %sub3A = arith.constant 1 : i32
    %sub3A_50 = arith.subi %div3A, %sub3A : i32
    %select_n3A_51 = arith.select %and3A, %sub3A_50, %div3A : i32
    %while3A = arith.constant 0 : i32
    %while3A_52 = arith.constant 0 : i32
    %while3A_53 = arith.subi %select_n3A_51, %while3A_52 : i32
    %while3A_54 = arith.addi %while3A_52, %while3A_53 : i32
    %while3A_55 = arith.constant 1 : i32
    %while3A_56 = arith.divsi %while3A_53, %while3A_55 : i32
    %while3A_57 = arith.muli %while3A_56, %while3A_55 : i32
    %while3A_58 = arith.addi %while3A_52, %while3A_57 : i32
    %while3A_59 = arith.constant 1 : i32
    scf.for %while3A_66 = %while3A_52 to %while3A_58 step %while3A_59  : i32 {
      %ne3A_67 = arith.constant 0 : i32
      %ne3A_68 = arith.cmpi ne, %while3A_66, %ne3A_67 : i32
      %convert_element_type3A = arith.extui %ne3A_68 : i1 to i32
      %cond3A = arith.constant 0 : i32
      %cond3A_69 = arith.cmpi ne, %convert_element_type3A, %cond3A : i32
      scf.if %cond3A_69 {
        %mul3A_75 = arith.constant 40 : i32
        %mul3A_76 = arith.muli %while3A_66, %mul3A_75 : i32
        %add3A_77 = arith.addi %multiple_of3A, %mul3A_76 : i32
        "tpu.region"() ({
          %run_scoped3A = tpu.sem_alloc : memref<!tpu.dma_semaphore, #tpu.memory_space<semaphore_mem>>
          %dma_start3A_102 = arith.constant 0 : i32
          %dma_start3A_103 = tpu.memref_slice %arg3[%add3A_77, %dma_start3A_102] : memref<2560x128xi32, #tpu.memory_space<hbm>> -> memref<40x128xi32, #tpu.memory_space<hbm>>
          %dma_start3A_104 = arith.constant 0 : i32
          %dma_start3A_105 = tpu.memref_slice %arg3[%add3A_77, %dma_start3A_104] : memref<2560x128xi32, #tpu.memory_space<hbm>> -> memref<40x128xi32, #tpu.memory_space<hbm>>
          tpu.enqueue_dma source(%dma_start3A_105 : memref<40x128xi32, #tpu.memory_space<hbm>>) target(%arg7 : memref<40x128xi32, #tpu.memory_space<vmem>>) target_semaphore(%run_scoped3A : memref<!tpu.dma_semaphore, #tpu.memory_space<semaphore_mem>>)
          %dma_wait3A = arith.constant 0 : i32
          %dma_wait3A_106 = tpu.memref_slice %arg3[%add3A_77, %dma_wait3A] : memref<2560x128xi32, #tpu.memory_space<hbm>> -> memref<40x128xi32, #tpu.memory_space<hbm>>
          %dma_wait3A_107 = arith.constant 0 : i32
          %dma_wait3A_108 = tpu.memref_slice %arg3[%add3A_77, %dma_wait3A_107] : memref<2560x128xi32, #tpu.memory_space<hbm>> -> memref<40x128xi32, #tpu.memory_space<hbm>>
          tpu.wait_dma2 semaphore(%run_scoped3A : memref<!tpu.dma_semaphore, #tpu.memory_space<semaphore_mem>>) src(%dma_wait3A_108 : memref<40x128xi32, #tpu.memory_space<hbm>>) dst(%arg7 : memref<40x128xi32, #tpu.memory_space<vmem>>)
          tpu.yield
        }) : () -> ()
        "tpu.region"() ({
          %run_scoped3A = tpu.sem_alloc : memref<!tpu.dma_semaphore, #tpu.memory_space<semaphore_mem>>
          %dma_start3A_102 = arith.constant 0 : i32
          %dma_start3A_103 = tpu.memref_slice %arg4[%add3A_77, %dma_start3A_102] : memref<2560x128xi32, #tpu.memory_space<hbm>> -> memref<40x128xi32, #tpu.memory_space<hbm>>
          %dma_start3A_104 = arith.constant 0 : i32
          %dma_start3A_105 = tpu.memref_slice %arg4[%add3A_77, %dma_start3A_104] : memref<2560x128xi32, #tpu.memory_space<hbm>> -> memref<40x128xi32, #tpu.memory_space<hbm>>
          tpu.enqueue_dma source(%dma_start3A_105 : memref<40x128xi32, #tpu.memory_space<hbm>>) target(%arg8 : memref<40x128xi32, #tpu.memory_space<vmem>>) target_semaphore(%run_scoped3A : memref<!tpu.dma_semaphore, #tpu.memory_space<semaphore_mem>>)
          %dma_wait3A = arith.constant 0 : i32
          %dma_wait3A_106 = tpu.memref_slice %arg4[%add3A_77, %dma_wait3A] : memref<2560x128xi32, #tpu.memory_space<hbm>> -> memref<40x128xi32, #tpu.memory_space<hbm>>
          %dma_wait3A_107 = arith.constant 0 : i32
          %dma_wait3A_108 = tpu.memref_slice %arg4[%add3A_77, %dma_wait3A_107] : memref<2560x128xi32, #tpu.memory_space<hbm>> -> memref<40x128xi32, #tpu.memory_space<hbm>>
          tpu.wait_dma2 semaphore(%run_scoped3A : memref<!tpu.dma_semaphore, #tpu.memory_space<semaphore_mem>>) src(%dma_wait3A_108 : memref<40x128xi32, #tpu.memory_space<hbm>>) dst(%arg8 : memref<40x128xi32, #tpu.memory_space<vmem>>)
          tpu.yield
        }) : () -> ()
        %dma_start3A_78 = arith.constant 0 : i32
        %dma_start3A_79 = arith.constant 0 : i32
        %dma_start3A_80 = arith.constant 0 : i32
        %dma_start3A_81 = arith.constant 0 : i32
        %dma_start3A_82 = tpu.memref_slice %arg9[%dma_start3A_79, %dma_start3A_80, %dma_start3A_81] : memref<2x128x128xf32, #tpu.memory_space<vmem>> -> memref<1x128x128xf32, #tpu.memory_space<vmem>>
        %dma_start3A_83 = tpu.memref_squeeze %dma_start3A_82 : memref<1x128x128xf32, #tpu.memory_space<vmem>> -> memref<128x128xf32, #tpu.memory_space<vmem>>
        %dma_start3A_84 = arith.constant 0 : i32
        %dma_start3A_85 = tpu.memref_slice %arg7[%dma_start3A_78, %dma_start3A_84] : memref<40x128xi32, #tpu.memory_space<vmem>> -> memref<1x128xi32, #tpu.memory_space<vmem>>
        %dma_start3A_86 = tpu.memref_squeeze %dma_start3A_85 : memref<1x128xi32, #tpu.memory_space<vmem>> -> memref<128xi32, #tpu.memory_space<vmem>>
        %dma_start3A_87 = arith.constant 0 : i32
        %dma_start3A_88 = arith.constant 0 : i32
        %dma_start3A_89 = tpu.memref_slice %arg2[%dma_start3A_87, %dma_start3A_88] : memref<10000x128xf32, #tpu.memory_space<hbm>> -> memref<10000x128xf32, #tpu.memory_space<hbm>>
        tpu.enqueue_indirect_dma source(%dma_start3A_89 : memref<10000x128xf32, #tpu.memory_space<hbm>>) target(%dma_start3A_83 : memref<128x128xf32, #tpu.memory_space<vmem>>) offsets(%dma_start3A_86 : memref<128xi32, #tpu.memory_space<vmem>>) semaphore(%arg11 : memref<!tpu.dma_semaphore, #tpu.memory_space<semaphore_mem>>)
        %dma_start3A_90 = arith.constant 1 : i32
        %dma_start3A_91 = arith.constant 1 : i32
        %dma_start3A_92 = arith.constant 0 : i32
        %dma_start3A_93 = arith.constant 0 : i32
        %dma_start3A_94 = tpu.memref_slice %arg9[%dma_start3A_91, %dma_start3A_92, %dma_start3A_93] : memref<2x128x128xf32, #tpu.memory_space<vmem>> -> memref<1x128x128xf32, #tpu.memory_space<vmem>>
        %dma_start3A_95 = tpu.memref_squeeze %dma_start3A_94 : memref<1x128x128xf32, #tpu.memory_space<vmem>> -> memref<128x128xf32, #tpu.memory_space<vmem>>
        %dma_start3A_96 = arith.constant 0 : i32
        %dma_start3A_97 = tpu.memref_slice %arg7[%dma_start3A_90, %dma_start3A_96] : memref<40x128xi32, #tpu.memory_space<vmem>> -> memref<1x128xi32, #tpu.memory_space<vmem>>
        %dma_start3A_98 = tpu.memref_squeeze %dma_start3A_97 : memref<1x128xi32, #tpu.memory_space<vmem>> -> memref<128xi32, #tpu.memory_space<vmem>>
        %dma_start3A_99 = arith.constant 0 : i32
        %dma_start3A_100 = arith.constant 0 : i32
        %dma_start3A_101 = tpu.memref_slice %arg2[%dma_start3A_99, %dma_start3A_100] : memref<10000x128xf32, #tpu.memory_space<hbm>> -> memref<10000x128xf32, #tpu.memory_space<hbm>>
        tpu.enqueue_indirect_dma source(%dma_start3A_101 : memref<10000x128xf32, #tpu.memory_space<hbm>>) target(%dma_start3A_95 : memref<128x128xf32, #tpu.memory_space<vmem>>) offsets(%dma_start3A_98 : memref<128xi32, #tpu.memory_space<vmem>>) semaphore(%arg12 : memref<!tpu.dma_semaphore, #tpu.memory_space<semaphore_mem>>)
      } else {
      }
      %scan3A = arith.constant 0 : i32
      %scan3A_70 = arith.constant 0 : i32
      %scan3A_71 = arith.constant 20 : i32
      %scan3A_72 = arith.addi %scan3A_70, %scan3A_71 : i32
      %scan3A_73 = arith.constant 1 : i32
      scf.for %scan3A_75 = %scan3A_70 to %scan3A_72 step %scan3A_73  : i32 {
        %mul3A_76 = arith.constant 2 : i32
        %mul3A_77 = arith.muli %scan3A_75, %mul3A_76 : i32
        %add3A_78 = arith.constant 0 : i32
        %add3A_79 = arith.addi %mul3A_77, %add3A_78 : i32
        %dma_wait3A = arith.constant 0 : i32
        %dma_wait3A_80 = arith.constant 0 : i32
        %dma_wait3A_81 = arith.constant 0 : i32
        %dma_wait3A_82 = tpu.memref_slice %arg9[%dma_wait3A, %dma_wait3A_80, %dma_wait3A_81] : memref<2x128x128xf32, #tpu.memory_space<vmem>> -> memref<1x128x128xf32, #tpu.memory_space<vmem>>
        %dma_wait3A_83 = tpu.memref_squeeze %dma_wait3A_82 : memref<1x128x128xf32, #tpu.memory_space<vmem>> -> memref<128x128xf32, #tpu.memory_space<vmem>>
        %dma_wait3A_84 = arith.constant 0 : i32
        %dma_wait3A_85 = tpu.memref_slice %arg7[%add3A_79, %dma_wait3A_84] : memref<40x128xi32, #tpu.memory_space<vmem>> -> memref<1x128xi32, #tpu.memory_space<vmem>>
        %dma_wait3A_86 = tpu.memref_squeeze %dma_wait3A_85 : memref<1x128xi32, #tpu.memory_space<vmem>> -> memref<128xi32, #tpu.memory_space<vmem>>
        %dma_wait3A_87 = arith.constant 0 : i32
        %dma_wait3A_88 = arith.constant 0 : i32
        %dma_wait3A_89 = tpu.memref_slice %arg2[%dma_wait3A_87, %dma_wait3A_88] : memref<10000x128xf32, #tpu.memory_space<hbm>> -> memref<10000x128xf32, #tpu.memory_space<hbm>>
        tpu.wait_indirect_dma semaphore(%arg11 : memref<!tpu.dma_semaphore, #tpu.memory_space<semaphore_mem>>) src(%dma_wait3A_89 : memref<10000x128xf32, #tpu.memory_space<hbm>>) dst(%dma_wait3A_83 : memref<128x128xf32, #tpu.memory_space<vmem>>)
        %run_scoped3A = arith.constant 0 : i32
        "tpu.region"() ({
          %run_scoped3A_119 = tpu.sem_alloc : memref<!tpu.dma_semaphore, #tpu.memory_space<semaphore_mem>>
          %dma_start3A_120 = arith.constant 0 : i32
          %dma_start3A_121 = arith.constant 0 : i32
          %dma_start3A_122 = tpu.memref_slice %arg9[%run_scoped3A, %dma_start3A_120, %dma_start3A_121] : memref<2x128x128xf32, #tpu.memory_space<vmem>> -> memref<1x128x128xf32, #tpu.memory_space<vmem>>
          %dma_start3A_123 = tpu.memref_squeeze %dma_start3A_122 : memref<1x128x128xf32, #tpu.memory_space<vmem>> -> memref<128x128xf32, #tpu.memory_space<vmem>>
          %dma_start3A_124 = arith.constant 0 : i32
          %dma_start3A_125 = tpu.memref_slice %arg8[%add3A_79, %dma_start3A_124] : memref<40x128xi32, #tpu.memory_space<vmem>> -> memref<1x128xi32, #tpu.memory_space<vmem>>
          %dma_start3A_126 = tpu.memref_squeeze %dma_start3A_125 : memref<1x128xi32, #tpu.memory_space<vmem>> -> memref<128xi32, #tpu.memory_space<vmem>>
          %dma_start3A_127 = arith.constant 0 : i32
          %dma_start3A_128 = arith.constant 0 : i32
          %dma_start3A_129 = tpu.memref_slice %arg10[%dma_start3A_127, %dma_start3A_128] : memref<10112x128xf32, #tpu.memory_space<vmem_shared>> -> memref<10112x128xf32, #tpu.memory_space<vmem_shared>>
          tpu.enqueue_indirect_dma source(%dma_start3A_123 : memref<128x128xf32, #tpu.memory_space<vmem>>) target(%dma_start3A_129 : memref<10112x128xf32, #tpu.memory_space<vmem_shared>>) offsets(%dma_start3A_126 : memref<128xi32, #tpu.memory_space<vmem>>) semaphore(%run_scoped3A_119 : memref<!tpu.dma_semaphore, #tpu.memory_space<semaphore_mem>>) {add = true}
          %dma_wait3A_130 = arith.constant 0 : i32
          %dma_wait3A_131 = arith.constant 0 : i32
          %dma_wait3A_132 = tpu.memref_slice %arg9[%run_scoped3A, %dma_wait3A_130, %dma_wait3A_131] : memref<2x128x128xf32, #tpu.memory_space<vmem>> -> memref<1x128x128xf32, #tpu.memory_space<vmem>>
          %dma_wait3A_133 = tpu.memref_squeeze %dma_wait3A_132 : memref<1x128x128xf32, #tpu.memory_space<vmem>> -> memref<128x128xf32, #tpu.memory_space<vmem>>
          %dma_wait3A_134 = arith.constant 0 : i32
          %dma_wait3A_135 = tpu.memref_slice %arg8[%add3A_79, %dma_wait3A_134] : memref<40x128xi32, #tpu.memory_space<vmem>> -> memref<1x128xi32, #tpu.memory_space<vmem>>
          %dma_wait3A_136 = tpu.memref_squeeze %dma_wait3A_135 : memref<1x128xi32, #tpu.memory_space<vmem>> -> memref<128xi32, #tpu.memory_space<vmem>>
          %dma_wait3A_137 = arith.constant 0 : i32
          %dma_wait3A_138 = arith.constant 0 : i32
          %dma_wait3A_139 = tpu.memref_slice %arg10[%dma_wait3A_137, %dma_wait3A_138] : memref<10112x128xf32, #tpu.memory_space<vmem_shared>> -> memref<10112x128xf32, #tpu.memory_space<vmem_shared>>
          tpu.wait_indirect_dma semaphore(%run_scoped3A_119 : memref<!tpu.dma_semaphore, #tpu.memory_space<semaphore_mem>>) src(%dma_wait3A_133 : memref<128x128xf32, #tpu.memory_space<vmem>>) dst(%dma_wait3A_139 : memref<10112x128xf32, #tpu.memory_space<vmem_shared>>)
          tpu.yield
        }) : () -> ()
        %add3A_90 = arith.constant 2 : i32
        %add3A_91 = arith.addi %add3A_79, %add3A_90 : i32
        %lt3A = arith.constant 40 : i32
        %lt3A_92 = arith.cmpi slt, %add3A_91, %lt3A : i32
        %convert_element_type3A_93 = arith.extui %lt3A_92 : i1 to i32
        %cond3A_94 = arith.constant 0 : i32
        %cond3A_95 = arith.cmpi ne, %convert_element_type3A_93, %cond3A_94 : i32
        scf.if %cond3A_95 {
          %dma_start3A_119 = arith.constant 0 : i32
          %dma_start3A_120 = arith.constant 0 : i32
          %dma_start3A_121 = arith.constant 0 : i32
          %dma_start3A_122 = tpu.memref_slice %arg9[%dma_start3A_119, %dma_start3A_120, %dma_start3A_121] : memref<2x128x128xf32, #tpu.memory_space<vmem>> -> memref<1x128x128xf32, #tpu.memory_space<vmem>>
          %dma_start3A_123 = tpu.memref_squeeze %dma_start3A_122 : memref<1x128x128xf32, #tpu.memory_space<vmem>> -> memref<128x128xf32, #tpu.memory_space<vmem>>
          %dma_start3A_124 = arith.constant 0 : i32
          %dma_start3A_125 = tpu.memref_slice %arg7[%add3A_91, %dma_start3A_124] : memref<40x128xi32, #tpu.memory_space<vmem>> -> memref<1x128xi32, #tpu.memory_space<vmem>>
          %dma_start3A_126 = tpu.memref_squeeze %dma_start3A_125 : memref<1x128xi32, #tpu.memory_space<vmem>> -> memref<128xi32, #tpu.memory_space<vmem>>
          %dma_start3A_127 = arith.constant 0 : i32
          %dma_start3A_128 = arith.constant 0 : i32
          %dma_start3A_129 = tpu.memref_slice %arg2[%dma_start3A_127, %dma_start3A_128] : memref<10000x128xf32, #tpu.memory_space<hbm>> -> memref<10000x128xf32, #tpu.memory_space<hbm>>
          tpu.enqueue_indirect_dma source(%dma_start3A_129 : memref<10000x128xf32, #tpu.memory_space<hbm>>) target(%dma_start3A_123 : memref<128x128xf32, #tpu.memory_space<vmem>>) offsets(%dma_start3A_126 : memref<128xi32, #tpu.memory_space<vmem>>) semaphore(%arg11 : memref<!tpu.dma_semaphore, #tpu.memory_space<semaphore_mem>>)
        } else {
        }
        %mul3A_96 = arith.constant 2 : i32
        %mul3A_97 = arith.muli %scan3A_75, %mul3A_96 : i32
        %add3A_98 = arith.constant 1 : i32
        %add3A_99 = arith.addi %mul3A_97, %add3A_98 : i32
        %dma_wait3A_100 = arith.constant 1 : i32
        %dma_wait3A_101 = arith.constant 0 : i32
        %dma_wait3A_102 = arith.constant 0 : i32
        %dma_wait3A_103 = tpu.memref_slice %arg9[%dma_wait3A_100, %dma_wait3A_101, %dma_wait3A_102] : memref<2x128x128xf32, #tpu.memory_space<vmem>> -> memref<1x128x128xf32, #tpu.memory_space<vmem>>
        %dma_wait3A_104 = tpu.memref_squeeze %dma_wait3A_103 : memref<1x128x128xf32, #tpu.memory_space<vmem>> -> memref<128x128xf32, #tpu.memory_space<vmem>>
        %dma_wait3A_105 = arith.constant 0 : i32
        %dma_wait3A_106 = tpu.memref_slice %arg7[%add3A_99, %dma_wait3A_105] : memref<40x128xi32, #tpu.memory_space<vmem>> -> memref<1x128xi32, #tpu.memory_space<vmem>>
        %dma_wait3A_107 = tpu.memref_squeeze %dma_wait3A_106 : memref<1x128xi32, #tpu.memory_space<vmem>> -> memref<128xi32, #tpu.memory_space<vmem>>
        %dma_wait3A_108 = arith.constant 0 : i32
        %dma_wait3A_109 = arith.constant 0 : i32
        %dma_wait3A_110 = tpu.memref_slice %arg2[%dma_wait3A_108, %dma_wait3A_109] : memref<10000x128xf32, #tpu.memory_space<hbm>> -> memref<10000x128xf32, #tpu.memory_space<hbm>>
        tpu.wait_indirect_dma semaphore(%arg12 : memref<!tpu.dma_semaphore, #tpu.memory_space<semaphore_mem>>) src(%dma_wait3A_110 : memref<10000x128xf32, #tpu.memory_space<hbm>>) dst(%dma_wait3A_104 : memref<128x128xf32, #tpu.memory_space<vmem>>)
        %run_scoped3A_111 = arith.constant 1 : i32
        "tpu.region"() ({
          %run_scoped3A_119 = tpu.sem_alloc : memref<!tpu.dma_semaphore, #tpu.memory_space<semaphore_mem>>
          %dma_start3A_120 = arith.constant 0 : i32
          %dma_start3A_121 = arith.constant 0 : i32
          %dma_start3A_122 = tpu.memref_slice %arg9[%run_scoped3A_111, %dma_start3A_120, %dma_start3A_121] : memref<2x128x128xf32, #tpu.memory_space<vmem>> -> memref<1x128x128xf32, #tpu.memory_space<vmem>>
          %dma_start3A_123 = tpu.memref_squeeze %dma_start3A_122 : memref<1x128x128xf32, #tpu.memory_space<vmem>> -> memref<128x128xf32, #tpu.memory_space<vmem>>
          %dma_start3A_124 = arith.constant 0 : i32
          %dma_start3A_125 = tpu.memref_slice %arg8[%add3A_99, %dma_start3A_124] : memref<40x128xi32, #tpu.memory_space<vmem>> -> memref<1x128xi32, #tpu.memory_space<vmem>>
          %dma_start3A_126 = tpu.memref_squeeze %dma_start3A_125 : memref<1x128xi32, #tpu.memory_space<vmem>> -> memref<128xi32, #tpu.memory_space<vmem>>
          %dma_start3A_127 = arith.constant 0 : i32
          %dma_start3A_128 = arith.constant 0 : i32
          %dma_start3A_129 = tpu.memref_slice %arg10[%dma_start3A_127, %dma_start3A_128] : memref<10112x128xf32, #tpu.memory_space<vmem_shared>> -> memref<10112x128xf32, #tpu.memory_space<vmem_shared>>
          tpu.enqueue_indirect_dma source(%dma_start3A_123 : memref<128x128xf32, #tpu.memory_space<vmem>>) target(%dma_start3A_129 : memref<10112x128xf32, #tpu.memory_space<vmem_shared>>) offsets(%dma_start3A_126 : memref<128xi32, #tpu.memory_space<vmem>>) semaphore(%run_scoped3A_119 : memref<!tpu.dma_semaphore, #tpu.memory_space<semaphore_mem>>) {add = true}
          %dma_wait3A_130 = arith.constant 0 : i32
          %dma_wait3A_131 = arith.constant 0 : i32
          %dma_wait3A_132 = tpu.memref_slice %arg9[%run_scoped3A_111, %dma_wait3A_130, %dma_wait3A_131] : memref<2x128x128xf32, #tpu.memory_space<vmem>> -> memref<1x128x128xf32, #tpu.memory_space<vmem>>
          %dma_wait3A_133 = tpu.memref_squeeze %dma_wait3A_132 : memref<1x128x128xf32, #tpu.memory_space<vmem>> -> memref<128x128xf32, #tpu.memory_space<vmem>>
          %dma_wait3A_134 = arith.constant 0 : i32
          %dma_wait3A_135 = tpu.memref_slice %arg8[%add3A_99, %dma_wait3A_134] : memref<40x128xi32, #tpu.memory_space<vmem>> -> memref<1x128xi32, #tpu.memory_space<vmem>>
          %dma_wait3A_136 = tpu.memref_squeeze %dma_wait3A_135 : memref<1x128xi32, #tpu.memory_space<vmem>> -> memref<128xi32, #tpu.memory_space<vmem>>
          %dma_wait3A_137 = arith.constant 0 : i32
          %dma_wait3A_138 = arith.constant 0 : i32
          %dma_wait3A_139 = tpu.memref_slice %arg10[%dma_wait3A_137, %dma_wait3A_138] : memref<10112x128xf32, #tpu.memory_space<vmem_shared>> -> memref<10112x128xf32, #tpu.memory_space<vmem_shared>>
          tpu.wait_indirect_dma semaphore(%run_scoped3A_119 : memref<!tpu.dma_semaphore, #tpu.memory_space<semaphore_mem>>) src(%dma_wait3A_133 : memref<128x128xf32, #tpu.memory_space<vmem>>) dst(%dma_wait3A_139 : memref<10112x128xf32, #tpu.memory_space<vmem_shared>>)
          tpu.yield
        }) : () -> ()
        %add3A_112 = arith.constant 2 : i32
        %add3A_113 = arith.addi %add3A_99, %add3A_112 : i32
        %lt3A_114 = arith.constant 40 : i32
        %lt3A_115 = arith.cmpi slt, %add3A_113, %lt3A_114 : i32
        %convert_element_type3A_116 = arith.extui %lt3A_115 : i1 to i32
        %cond3A_117 = arith.constant 0 : i32
        %cond3A_118 = arith.cmpi ne, %convert_element_type3A_116, %cond3A_117 : i32
        scf.if %cond3A_118 {
          %dma_start3A_119 = arith.constant 1 : i32
          %dma_start3A_120 = arith.constant 0 : i32
          %dma_start3A_121 = arith.constant 0 : i32
          %dma_start3A_122 = tpu.memref_slice %arg9[%dma_start3A_119, %dma_start3A_120, %dma_start3A_121] : memref<2x128x128xf32, #tpu.memory_space<vmem>> -> memref<1x128x128xf32, #tpu.memory_space<vmem>>
          %dma_start3A_123 = tpu.memref_squeeze %dma_start3A_122 : memref<1x128x128xf32, #tpu.memory_space<vmem>> -> memref<128x128xf32, #tpu.memory_space<vmem>>
          %dma_start3A_124 = arith.constant 0 : i32
          %dma_start3A_125 = tpu.memref_slice %arg7[%add3A_113, %dma_start3A_124] : memref<40x128xi32, #tpu.memory_space<vmem>> -> memref<1x128xi32, #tpu.memory_space<vmem>>
          %dma_start3A_126 = tpu.memref_squeeze %dma_start3A_125 : memref<1x128xi32, #tpu.memory_space<vmem>> -> memref<128xi32, #tpu.memory_space<vmem>>
          %dma_start3A_127 = arith.constant 0 : i32
          %dma_start3A_128 = arith.constant 0 : i32
          %dma_start3A_129 = tpu.memref_slice %arg2[%dma_start3A_127, %dma_start3A_128] : memref<10000x128xf32, #tpu.memory_space<hbm>> -> memref<10000x128xf32, #tpu.memory_space<hbm>>
          tpu.enqueue_indirect_dma source(%dma_start3A_129 : memref<10000x128xf32, #tpu.memory_space<hbm>>) target(%dma_start3A_123 : memref<128x128xf32, #tpu.memory_space<vmem>>) offsets(%dma_start3A_126 : memref<128xi32, #tpu.memory_space<vmem>>) semaphore(%arg12 : memref<!tpu.dma_semaphore, #tpu.memory_space<semaphore_mem>>)
        } else {
        }
      }
      %scan3A_74 = arith.constant 20 : i32
    }
    %while3A_60 = arith.constant 1 : i32
    scf.for %while3A_66 = %while3A_58 to %while3A_54 step %while3A_60  : i32 {
      %ne3A_67 = arith.constant 0 : i32
      %ne3A_68 = arith.cmpi ne, %while3A_66, %ne3A_67 : i32
      %convert_element_type3A = arith.extui %ne3A_68 : i1 to i32
      %cond3A = arith.constant 0 : i32
      %cond3A_69 = arith.cmpi ne, %convert_element_type3A, %cond3A : i32
      scf.if %cond3A_69 {
        %mul3A_75 = arith.constant 40 : i32
        %mul3A_76 = arith.muli %while3A_66, %mul3A_75 : i32
        %add3A_77 = arith.addi %multiple_of3A, %mul3A_76 : i32
        "tpu.region"() ({
          %run_scoped3A = tpu.sem_alloc : memref<!tpu.dma_semaphore, #tpu.memory_space<semaphore_mem>>
          %dma_start3A_102 = arith.constant 0 : i32
          %dma_start3A_103 = tpu.memref_slice %arg3[%add3A_77, %dma_start3A_102] : memref<2560x128xi32, #tpu.memory_space<hbm>> -> memref<40x128xi32, #tpu.memory_space<hbm>>
          %dma_start3A_104 = arith.constant 0 : i32
          %dma_start3A_105 = tpu.memref_slice %arg3[%add3A_77, %dma_start3A_104] : memref<2560x128xi32, #tpu.memory_space<hbm>> -> memref<40x128xi32, #tpu.memory_space<hbm>>
          tpu.enqueue_dma source(%dma_start3A_105 : memref<40x128xi32, #tpu.memory_space<hbm>>) target(%arg7 : memref<40x128xi32, #tpu.memory_space<vmem>>) target_semaphore(%run_scoped3A : memref<!tpu.dma_semaphore, #tpu.memory_space<semaphore_mem>>)
          %dma_wait3A = arith.constant 0 : i32
          %dma_wait3A_106 = tpu.memref_slice %arg3[%add3A_77, %dma_wait3A] : memref<2560x128xi32, #tpu.memory_space<hbm>> -> memref<40x128xi32, #tpu.memory_space<hbm>>
          %dma_wait3A_107 = arith.constant 0 : i32
          %dma_wait3A_108 = tpu.memref_slice %arg3[%add3A_77, %dma_wait3A_107] : memref<2560x128xi32, #tpu.memory_space<hbm>> -> memref<40x128xi32, #tpu.memory_space<hbm>>
          tpu.wait_dma2 semaphore(%run_scoped3A : memref<!tpu.dma_semaphore, #tpu.memory_space<semaphore_mem>>) src(%dma_wait3A_108 : memref<40x128xi32, #tpu.memory_space<hbm>>) dst(%arg7 : memref<40x128xi32, #tpu.memory_space<vmem>>)
          tpu.yield
        }) : () -> ()
        "tpu.region"() ({
          %run_scoped3A = tpu.sem_alloc : memref<!tpu.dma_semaphore, #tpu.memory_space<semaphore_mem>>
          %dma_start3A_102 = arith.constant 0 : i32
          %dma_start3A_103 = tpu.memref_slice %arg4[%add3A_77, %dma_start3A_102] : memref<2560x128xi32, #tpu.memory_space<hbm>> -> memref<40x128xi32, #tpu.memory_space<hbm>>
          %dma_start3A_104 = arith.constant 0 : i32
          %dma_start3A_105 = tpu.memref_slice %arg4[%add3A_77, %dma_start3A_104] : memref<2560x128xi32, #tpu.memory_space<hbm>> -> memref<40x128xi32, #tpu.memory_space<hbm>>
          tpu.enqueue_dma source(%dma_start3A_105 : memref<40x128xi32, #tpu.memory_space<hbm>>) target(%arg8 : memref<40x128xi32, #tpu.memory_space<vmem>>) target_semaphore(%run_scoped3A : memref<!tpu.dma_semaphore, #tpu.memory_space<semaphore_mem>>)
          %dma_wait3A = arith.constant 0 : i32
          %dma_wait3A_106 = tpu.memref_slice %arg4[%add3A_77, %dma_wait3A] : memref<2560x128xi32, #tpu.memory_space<hbm>> -> memref<40x128xi32, #tpu.memory_space<hbm>>
          %dma_wait3A_107 = arith.constant 0 : i32
          %dma_wait3A_108 = tpu.memref_slice %arg4[%add3A_77, %dma_wait3A_107] : memref<2560x128xi32, #tpu.memory_space<hbm>> -> memref<40x128xi32, #tpu.memory_space<hbm>>
          tpu.wait_dma2 semaphore(%run_scoped3A : memref<!tpu.dma_semaphore, #tpu.memory_space<semaphore_mem>>) src(%dma_wait3A_108 : memref<40x128xi32, #tpu.memory_space<hbm>>) dst(%arg8 : memref<40x128xi32, #tpu.memory_space<vmem>>)
          tpu.yield
        }) : () -> ()
        %dma_start3A_78 = arith.constant 0 : i32
        %dma_start3A_79 = arith.constant 0 : i32
        %dma_start3A_80 = arith.constant 0 : i32
        %dma_start3A_81 = arith.constant 0 : i32
        %dma_start3A_82 = tpu.memref_slice %arg9[%dma_start3A_79, %dma_start3A_80, %dma_start3A_81] : memref<2x128x128xf32, #tpu.memory_space<vmem>> -> memref<1x128x128xf32, #tpu.memory_space<vmem>>
        %dma_start3A_83 = tpu.memref_squeeze %dma_start3A_82 : memref<1x128x128xf32, #tpu.memory_space<vmem>> -> memref<128x128xf32, #tpu.memory_space<vmem>>
        %dma_start3A_84 = arith.constant 0 : i32
        %dma_start3A_85 = tpu.memref_slice %arg7[%dma_start3A_78, %dma_start3A_84] : memref<40x128xi32, #tpu.memory_space<vmem>> -> memref<1x128xi32, #tpu.memory_space<vmem>>
        %dma_start3A_86 = tpu.memref_squeeze %dma_start3A_85 : memref<1x128xi32, #tpu.memory_space<vmem>> -> memref<128xi32, #tpu.memory_space<vmem>>
        %dma_start3A_87 = arith.constant 0 : i32
        %dma_start3A_88 = arith.constant 0 : i32
        %dma_start3A_89 = tpu.memref_slice %arg2[%dma_start3A_87, %dma_start3A_88] : memref<10000x128xf32, #tpu.memory_space<hbm>> -> memref<10000x128xf32, #tpu.memory_space<hbm>>
        tpu.enqueue_indirect_dma source(%dma_start3A_89 : memref<10000x128xf32, #tpu.memory_space<hbm>>) target(%dma_start3A_83 : memref<128x128xf32, #tpu.memory_space<vmem>>) offsets(%dma_start3A_86 : memref<128xi32, #tpu.memory_space<vmem>>) semaphore(%arg11 : memref<!tpu.dma_semaphore, #tpu.memory_space<semaphore_mem>>)
        %dma_start3A_90 = arith.constant 1 : i32
        %dma_start3A_91 = arith.constant 1 : i32
        %dma_start3A_92 = arith.constant 0 : i32
        %dma_start3A_93 = arith.constant 0 : i32
        %dma_start3A_94 = tpu.memref_slice %arg9[%dma_start3A_91, %dma_start3A_92, %dma_start3A_93] : memref<2x128x128xf32, #tpu.memory_space<vmem>> -> memref<1x128x128xf32, #tpu.memory_space<vmem>>
        %dma_start3A_95 = tpu.memref_squeeze %dma_start3A_94 : memref<1x128x128xf32, #tpu.memory_space<vmem>> -> memref<128x128xf32, #tpu.memory_space<vmem>>
        %dma_start3A_96 = arith.constant 0 : i32
        %dma_start3A_97 = tpu.memref_slice %arg7[%dma_start3A_90, %dma_start3A_96] : memref<40x128xi32, #tpu.memory_space<vmem>> -> memref<1x128xi32, #tpu.memory_space<vmem>>
        %dma_start3A_98 = tpu.memref_squeeze %dma_start3A_97 : memref<1x128xi32, #tpu.memory_space<vmem>> -> memref<128xi32, #tpu.memory_space<vmem>>
        %dma_start3A_99 = arith.constant 0 : i32
        %dma_start3A_100 = arith.constant 0 : i32
        %dma_start3A_101 = tpu.memref_slice %arg2[%dma_start3A_99, %dma_start3A_100] : memref<10000x128xf32, #tpu.memory_space<hbm>> -> memref<10000x128xf32, #tpu.memory_space<hbm>>
        tpu.enqueue_indirect_dma source(%dma_start3A_101 : memref<10000x128xf32, #tpu.memory_space<hbm>>) target(%dma_start3A_95 : memref<128x128xf32, #tpu.memory_space<vmem>>) offsets(%dma_start3A_98 : memref<128xi32, #tpu.memory_space<vmem>>) semaphore(%arg12 : memref<!tpu.dma_semaphore, #tpu.memory_space<semaphore_mem>>)
      } else {
      }
      %scan3A = arith.constant 0 : i32
      %scan3A_70 = arith.constant 0 : i32
      %scan3A_71 = arith.constant 20 : i32
      %scan3A_72 = arith.addi %scan3A_70, %scan3A_71 : i32
      %scan3A_73 = arith.constant 1 : i32
      scf.for %scan3A_75 = %scan3A_70 to %scan3A_72 step %scan3A_73  : i32 {
        %mul3A_76 = arith.constant 2 : i32
        %mul3A_77 = arith.muli %scan3A_75, %mul3A_76 : i32
        %add3A_78 = arith.constant 0 : i32
        %add3A_79 = arith.addi %mul3A_77, %add3A_78 : i32
        %dma_wait3A = arith.constant 0 : i32
        %dma_wait3A_80 = arith.constant 0 : i32
        %dma_wait3A_81 = arith.constant 0 : i32
        %dma_wait3A_82 = tpu.memref_slice %arg9[%dma_wait3A, %dma_wait3A_80, %dma_wait3A_81] : memref<2x128x128xf32, #tpu.memory_space<vmem>> -> memref<1x128x128xf32, #tpu.memory_space<vmem>>
        %dma_wait3A_83 = tpu.memref_squeeze %dma_wait3A_82 : memref<1x128x128xf32, #tpu.memory_space<vmem>> -> memref<128x128xf32, #tpu.memory_space<vmem>>
        %dma_wait3A_84 = arith.constant 0 : i32
        %dma_wait3A_85 = tpu.memref_slice %arg7[%add3A_79, %dma_wait3A_84] : memref<40x128xi32, #tpu.memory_space<vmem>> -> memref<1x128xi32, #tpu.memory_space<vmem>>
        %dma_wait3A_86 = tpu.memref_squeeze %dma_wait3A_85 : memref<1x128xi32, #tpu.memory_space<vmem>> -> memref<128xi32, #tpu.memory_space<vmem>>
        %dma_wait3A_87 = arith.constant 0 : i32
        %dma_wait3A_88 = arith.constant 0 : i32
        %dma_wait3A_89 = tpu.memref_slice %arg2[%dma_wait3A_87, %dma_wait3A_88] : memref<10000x128xf32, #tpu.memory_space<hbm>> -> memref<10000x128xf32, #tpu.memory_space<hbm>>
        tpu.wait_indirect_dma semaphore(%arg11 : memref<!tpu.dma_semaphore, #tpu.memory_space<semaphore_mem>>) src(%dma_wait3A_89 : memref<10000x128xf32, #tpu.memory_space<hbm>>) dst(%dma_wait3A_83 : memref<128x128xf32, #tpu.memory_space<vmem>>)
        %run_scoped3A = arith.constant 0 : i32
        "tpu.region"() ({
          %run_scoped3A_119 = tpu.sem_alloc : memref<!tpu.dma_semaphore, #tpu.memory_space<semaphore_mem>>
          %dma_start3A_120 = arith.constant 0 : i32
          %dma_start3A_121 = arith.constant 0 : i32
          %dma_start3A_122 = tpu.memref_slice %arg9[%run_scoped3A, %dma_start3A_120, %dma_start3A_121] : memref<2x128x128xf32, #tpu.memory_space<vmem>> -> memref<1x128x128xf32, #tpu.memory_space<vmem>>
          %dma_start3A_123 = tpu.memref_squeeze %dma_start3A_122 : memref<1x128x128xf32, #tpu.memory_space<vmem>> -> memref<128x128xf32, #tpu.memory_space<vmem>>
          %dma_start3A_124 = arith.constant 0 : i32
          %dma_start3A_125 = tpu.memref_slice %arg8[%add3A_79, %dma_start3A_124] : memref<40x128xi32, #tpu.memory_space<vmem>> -> memref<1x128xi32, #tpu.memory_space<vmem>>
          %dma_start3A_126 = tpu.memref_squeeze %dma_start3A_125 : memref<1x128xi32, #tpu.memory_space<vmem>> -> memref<128xi32, #tpu.memory_space<vmem>>
          %dma_start3A_127 = arith.constant 0 : i32
          %dma_start3A_128 = arith.constant 0 : i32
          %dma_start3A_129 = tpu.memref_slice %arg10[%dma_start3A_127, %dma_start3A_128] : memref<10112x128xf32, #tpu.memory_space<vmem_shared>> -> memref<10112x128xf32, #tpu.memory_space<vmem_shared>>
          tpu.enqueue_indirect_dma source(%dma_start3A_123 : memref<128x128xf32, #tpu.memory_space<vmem>>) target(%dma_start3A_129 : memref<10112x128xf32, #tpu.memory_space<vmem_shared>>) offsets(%dma_start3A_126 : memref<128xi32, #tpu.memory_space<vmem>>) semaphore(%run_scoped3A_119 : memref<!tpu.dma_semaphore, #tpu.memory_space<semaphore_mem>>) {add = true}
          %dma_wait3A_130 = arith.constant 0 : i32
          %dma_wait3A_131 = arith.constant 0 : i32
          %dma_wait3A_132 = tpu.memref_slice %arg9[%run_scoped3A, %dma_wait3A_130, %dma_wait3A_131] : memref<2x128x128xf32, #tpu.memory_space<vmem>> -> memref<1x128x128xf32, #tpu.memory_space<vmem>>
          %dma_wait3A_133 = tpu.memref_squeeze %dma_wait3A_132 : memref<1x128x128xf32, #tpu.memory_space<vmem>> -> memref<128x128xf32, #tpu.memory_space<vmem>>
          %dma_wait3A_134 = arith.constant 0 : i32
          %dma_wait3A_135 = tpu.memref_slice %arg8[%add3A_79, %dma_wait3A_134] : memref<40x128xi32, #tpu.memory_space<vmem>> -> memref<1x128xi32, #tpu.memory_space<vmem>>
          %dma_wait3A_136 = tpu.memref_squeeze %dma_wait3A_135 : memref<1x128xi32, #tpu.memory_space<vmem>> -> memref<128xi32, #tpu.memory_space<vmem>>
          %dma_wait3A_137 = arith.constant 0 : i32
          %dma_wait3A_138 = arith.constant 0 : i32
          %dma_wait3A_139 = tpu.memref_slice %arg10[%dma_wait3A_137, %dma_wait3A_138] : memref<10112x128xf32, #tpu.memory_space<vmem_shared>> -> memref<10112x128xf32, #tpu.memory_space<vmem_shared>>
          tpu.wait_indirect_dma semaphore(%run_scoped3A_119 : memref<!tpu.dma_semaphore, #tpu.memory_space<semaphore_mem>>) src(%dma_wait3A_133 : memref<128x128xf32, #tpu.memory_space<vmem>>) dst(%dma_wait3A_139 : memref<10112x128xf32, #tpu.memory_space<vmem_shared>>)
          tpu.yield
        }) : () -> ()
        %add3A_90 = arith.constant 2 : i32
        %add3A_91 = arith.addi %add3A_79, %add3A_90 : i32
        %lt3A = arith.constant 40 : i32
        %lt3A_92 = arith.cmpi slt, %add3A_91, %lt3A : i32
        %convert_element_type3A_93 = arith.extui %lt3A_92 : i1 to i32
        %cond3A_94 = arith.constant 0 : i32
        %cond3A_95 = arith.cmpi ne, %convert_element_type3A_93, %cond3A_94 : i32
        scf.if %cond3A_95 {
          %dma_start3A_119 = arith.constant 0 : i32
          %dma_start3A_120 = arith.constant 0 : i32
          %dma_start3A_121 = arith.constant 0 : i32
          %dma_start3A_122 = tpu.memref_slice %arg9[%dma_start3A_119, %dma_start3A_120, %dma_start3A_121] : memref<2x128x128xf32, #tpu.memory_space<vmem>> -> memref<1x128x128xf32, #tpu.memory_space<vmem>>
          %dma_start3A_123 = tpu.memref_squeeze %dma_start3A_122 : memref<1x128x128xf32, #tpu.memory_space<vmem>> -> memref<128x128xf32, #tpu.memory_space<vmem>>
          %dma_start3A_124 = arith.constant 0 : i32
          %dma_start3A_125 = tpu.memref_slice %arg7[%add3A_91, %dma_start3A_124] : memref<40x128xi32, #tpu.memory_space<vmem>> -> memref<1x128xi32, #tpu.memory_space<vmem>>
          %dma_start3A_126 = tpu.memref_squeeze %dma_start3A_125 : memref<1x128xi32, #tpu.memory_space<vmem>> -> memref<128xi32, #tpu.memory_space<vmem>>
          %dma_start3A_127 = arith.constant 0 : i32
          %dma_start3A_128 = arith.constant 0 : i32
          %dma_start3A_129 = tpu.memref_slice %arg2[%dma_start3A_127, %dma_start3A_128] : memref<10000x128xf32, #tpu.memory_space<hbm>> -> memref<10000x128xf32, #tpu.memory_space<hbm>>
          tpu.enqueue_indirect_dma source(%dma_start3A_129 : memref<10000x128xf32, #tpu.memory_space<hbm>>) target(%dma_start3A_123 : memref<128x128xf32, #tpu.memory_space<vmem>>) offsets(%dma_start3A_126 : memref<128xi32, #tpu.memory_space<vmem>>) semaphore(%arg11 : memref<!tpu.dma_semaphore, #tpu.memory_space<semaphore_mem>>)
        } else {
        }
        %mul3A_96 = arith.constant 2 : i32
        %mul3A_97 = arith.muli %scan3A_75, %mul3A_96 : i32
        %add3A_98 = arith.constant 1 : i32
        %add3A_99 = arith.addi %mul3A_97, %add3A_98 : i32
        %dma_wait3A_100 = arith.constant 1 : i32
        %dma_wait3A_101 = arith.constant 0 : i32
        %dma_wait3A_102 = arith.constant 0 : i32
        %dma_wait3A_103 = tpu.memref_slice %arg9[%dma_wait3A_100, %dma_wait3A_101, %dma_wait3A_102] : memref<2x128x128xf32, #tpu.memory_space<vmem>> -> memref<1x128x128xf32, #tpu.memory_space<vmem>>
        %dma_wait3A_104 = tpu.memref_squeeze %dma_wait3A_103 : memref<1x128x128xf32, #tpu.memory_space<vmem>> -> memref<128x128xf32, #tpu.memory_space<vmem>>
        %dma_wait3A_105 = arith.constant 0 : i32
        %dma_wait3A_106 = tpu.memref_slice %arg7[%add3A_99, %dma_wait3A_105] : memref<40x128xi32, #tpu.memory_space<vmem>> -> memref<1x128xi32, #tpu.memory_space<vmem>>
        %dma_wait3A_107 = tpu.memref_squeeze %dma_wait3A_106 : memref<1x128xi32, #tpu.memory_space<vmem>> -> memref<128xi32, #tpu.memory_space<vmem>>
        %dma_wait3A_108 = arith.constant 0 : i32
        %dma_wait3A_109 = arith.constant 0 : i32
        %dma_wait3A_110 = tpu.memref_slice %arg2[%dma_wait3A_108, %dma_wait3A_109] : memref<10000x128xf32, #tpu.memory_space<hbm>> -> memref<10000x128xf32, #tpu.memory_space<hbm>>
        tpu.wait_indirect_dma semaphore(%arg12 : memref<!tpu.dma_semaphore, #tpu.memory_space<semaphore_mem>>) src(%dma_wait3A_110 : memref<10000x128xf32, #tpu.memory_space<hbm>>) dst(%dma_wait3A_104 : memref<128x128xf32, #tpu.memory_space<vmem>>)
        %run_scoped3A_111 = arith.constant 1 : i32
        "tpu.region"() ({
          %run_scoped3A_119 = tpu.sem_alloc : memref<!tpu.dma_semaphore, #tpu.memory_space<semaphore_mem>>
          %dma_start3A_120 = arith.constant 0 : i32
          %dma_start3A_121 = arith.constant 0 : i32
          %dma_start3A_122 = tpu.memref_slice %arg9[%run_scoped3A_111, %dma_start3A_120, %dma_start3A_121] : memref<2x128x128xf32, #tpu.memory_space<vmem>> -> memref<1x128x128xf32, #tpu.memory_space<vmem>>
          %dma_start3A_123 = tpu.memref_squeeze %dma_start3A_122 : memref<1x128x128xf32, #tpu.memory_space<vmem>> -> memref<128x128xf32, #tpu.memory_space<vmem>>
          %dma_start3A_124 = arith.constant 0 : i32
          %dma_start3A_125 = tpu.memref_slice %arg8[%add3A_99, %dma_start3A_124] : memref<40x128xi32, #tpu.memory_space<vmem>> -> memref<1x128xi32, #tpu.memory_space<vmem>>
          %dma_start3A_126 = tpu.memref_squeeze %dma_start3A_125 : memref<1x128xi32, #tpu.memory_space<vmem>> -> memref<128xi32, #tpu.memory_space<vmem>>
          %dma_start3A_127 = arith.constant 0 : i32
          %dma_start3A_128 = arith.constant 0 : i32
          %dma_start3A_129 = tpu.memref_slice %arg10[%dma_start3A_127, %dma_start3A_128] : memref<10112x128xf32, #tpu.memory_space<vmem_shared>> -> memref<10112x128xf32, #tpu.memory_space<vmem_shared>>
          tpu.enqueue_indirect_dma source(%dma_start3A_123 : memref<128x128xf32, #tpu.memory_space<vmem>>) target(%dma_start3A_129 : memref<10112x128xf32, #tpu.memory_space<vmem_shared>>) offsets(%dma_start3A_126 : memref<128xi32, #tpu.memory_space<vmem>>) semaphore(%run_scoped3A_119 : memref<!tpu.dma_semaphore, #tpu.memory_space<semaphore_mem>>) {add = true}
          %dma_wait3A_130 = arith.constant 0 : i32
          %dma_wait3A_131 = arith.constant 0 : i32
          %dma_wait3A_132 = tpu.memref_slice %arg9[%run_scoped3A_111, %dma_wait3A_130, %dma_wait3A_131] : memref<2x128x128xf32, #tpu.memory_space<vmem>> -> memref<1x128x128xf32, #tpu.memory_space<vmem>>
          %dma_wait3A_133 = tpu.memref_squeeze %dma_wait3A_132 : memref<1x128x128xf32, #tpu.memory_space<vmem>> -> memref<128x128xf32, #tpu.memory_space<vmem>>
          %dma_wait3A_134 = arith.constant 0 : i32
          %dma_wait3A_135 = tpu.memref_slice %arg8[%add3A_99, %dma_wait3A_134] : memref<40x128xi32, #tpu.memory_space<vmem>> -> memref<1x128xi32, #tpu.memory_space<vmem>>
          %dma_wait3A_136 = tpu.memref_squeeze %dma_wait3A_135 : memref<1x128xi32, #tpu.memory_space<vmem>> -> memref<128xi32, #tpu.memory_space<vmem>>
          %dma_wait3A_137 = arith.constant 0 : i32
          %dma_wait3A_138 = arith.constant 0 : i32
          %dma_wait3A_139 = tpu.memref_slice %arg10[%dma_wait3A_137, %dma_wait3A_138] : memref<10112x128xf32, #tpu.memory_space<vmem_shared>> -> memref<10112x128xf32, #tpu.memory_space<vmem_shared>>
          tpu.wait_indirect_dma semaphore(%run_scoped3A_119 : memref<!tpu.dma_semaphore, #tpu.memory_space<semaphore_mem>>) src(%dma_wait3A_133 : memref<128x128xf32, #tpu.memory_space<vmem>>) dst(%dma_wait3A_139 : memref<10112x128xf32, #tpu.memory_space<vmem_shared>>)
          tpu.yield
        }) : () -> ()
        %add3A_112 = arith.constant 2 : i32
        %add3A_113 = arith.addi %add3A_99, %add3A_112 : i32
        %lt3A_114 = arith.constant 40 : i32
        %lt3A_115 = arith.cmpi slt, %add3A_113, %lt3A_114 : i32
        %convert_element_type3A_116 = arith.extui %lt3A_115 : i1 to i32
        %cond3A_117 = arith.constant 0 : i32
        %cond3A_118 = arith.cmpi ne, %convert_element_type3A_116, %cond3A_117 : i32
        scf.if %cond3A_118 {
          %dma_start3A_119 = arith.constant 1 : i32
          %dma_start3A_120 = arith.constant 0 : i32
          %dma_start3A_121 = arith.constant 0 : i32
          %dma_start3A_122 = tpu.memref_slice %arg9[%dma_start3A_119, %dma_start3A_120, %dma_start3A_121] : memref<2x128x128xf32, #tpu.memory_space<vmem>> -> memref<1x128x128xf32, #tpu.memory_space<vmem>>
          %dma_start3A_123 = tpu.memref_squeeze %dma_start3A_122 : memref<1x128x128xf32, #tpu.memory_space<vmem>> -> memref<128x128xf32, #tpu.memory_space<vmem>>
          %dma_start3A_124 = arith.constant 0 : i32
          %dma_start3A_125 = tpu.memref_slice %arg7[%add3A_113, %dma_start3A_124] : memref<40x128xi32, #tpu.memory_space<vmem>> -> memref<1x128xi32, #tpu.memory_space<vmem>>
          %dma_start3A_126 = tpu.memref_squeeze %dma_start3A_125 : memref<1x128xi32, #tpu.memory_space<vmem>> -> memref<128xi32, #tpu.memory_space<vmem>>
          %dma_start3A_127 = arith.constant 0 : i32
          %dma_start3A_128 = arith.constant 0 : i32
          %dma_start3A_129 = tpu.memref_slice %arg2[%dma_start3A_127, %dma_start3A_128] : memref<10000x128xf32, #tpu.memory_space<hbm>> -> memref<10000x128xf32, #tpu.memory_space<hbm>>
          tpu.enqueue_indirect_dma source(%dma_start3A_129 : memref<10000x128xf32, #tpu.memory_space<hbm>>) target(%dma_start3A_123 : memref<128x128xf32, #tpu.memory_space<vmem>>) offsets(%dma_start3A_126 : memref<128xi32, #tpu.memory_space<vmem>>) semaphore(%arg12 : memref<!tpu.dma_semaphore, #tpu.memory_space<semaphore_mem>>)
        } else {
        }
      }
      %scan3A_74 = arith.constant 20 : i32
    }
    %barrier3A_61 = arith.constant 0 : index
    tpu.barrier barrier_id(%barrier3A_61)
    %mul3A_62 = arith.constant 632 : i32
    %mul3A_63 = arith.muli %arg1, %mul3A_62 : i32
    %mul3A_64 = arith.constant 632 : i32
    %mul3A_65 = arith.muli %arg1, %mul3A_64 : i32
    "tpu.region"() ({
      %run_scoped3A = tpu.sem_alloc : memref<!tpu.dma_semaphore, #tpu.memory_space<semaphore_mem>>
      %dma_start3A_66 = arith.constant 0 : i32
      %dma_start3A_67 = tpu.memref_slice %arg6[%arg0, %mul3A_65, %dma_start3A_66] : memref<2x10112x128xf32, #tpu.memory_space<hbm>> -> memref<1x632x128xf32, #tpu.memory_space<hbm>>
      %dma_start3A_68 = tpu.memref_squeeze %dma_start3A_67 : memref<1x632x128xf32, #tpu.memory_space<hbm>> -> memref<632x128xf32, #tpu.memory_space<hbm>>
      %dma_start3A_69 = arith.constant 0 : i32
      %dma_start3A_70 = tpu.memref_slice %arg10[%mul3A_63, %dma_start3A_69] : memref<10112x128xf32, #tpu.memory_space<vmem_shared>> -> memref<632x128xf32, #tpu.memory_space<vmem_shared>>
      tpu.enqueue_dma source(%dma_start3A_70 : memref<632x128xf32, #tpu.memory_space<vmem_shared>>) target(%dma_start3A_68 : memref<632x128xf32, #tpu.memory_space<hbm>>) target_semaphore(%run_scoped3A : memref<!tpu.dma_semaphore, #tpu.memory_space<semaphore_mem>>)
      %dma_wait3A = arith.constant 0 : i32
      %dma_wait3A_71 = tpu.memref_slice %arg6[%arg0, %mul3A_65, %dma_wait3A] : memref<2x10112x128xf32, #tpu.memory_space<hbm>> -> memref<1x632x128xf32, #tpu.memory_space<hbm>>
      %dma_wait3A_72 = tpu.memref_squeeze %dma_wait3A_71 : memref<1x632x128xf32, #tpu.memory_space<hbm>> -> memref<632x128xf32, #tpu.memory_space<hbm>>
      %dma_wait3A_73 = arith.constant 0 : i32
      %dma_wait3A_74 = tpu.memref_slice %arg10[%mul3A_63, %dma_wait3A_73] : memref<10112x128xf32, #tpu.memory_space<vmem_shared>> -> memref<632x128xf32, #tpu.memory_space<vmem_shared>>
      tpu.wait_dma2 semaphore(%run_scoped3A : memref<!tpu.dma_semaphore, #tpu.memory_space<semaphore_mem>>) src(%dma_wait3A_74 : memref<632x128xf32, #tpu.memory_space<vmem_shared>>) dst(%dma_wait3A_72 : memref<632x128xf32, #tpu.memory_space<hbm>>)
      tpu.yield
    }) : () -> ()
    return
  }
}

module attributes {stable_mosaic.version = 14 : i64} {
  func.func @_mm_body(%arg0: i32, %arg1: memref<2000x128xf32, #tpu.memory_space<vmem>>, %arg2: memref<128x128xf32, #tpu.memory_space<vmem>>, %arg3: memref<1x128xf32, #tpu.memory_space<vmem>>, %arg4: memref<2000x128xf32, #tpu.memory_space<vmem>>) attributes {dimension_semantics = [#tpu.dimension_semantics<arbitrary>], iteration_bounds = array<i64: 5>, scalar_prefetch = 0 : i64, scratch_operands = 0 : i64, tpu.core_type = #tpu.core_type<tc>, window_params = [{transform_indices = @transform_0, window_bounds = array<i64: 2000, 128>}, {pipeline_mode = #tpu.pipeline_mode<synchronous>, transform_indices = @transform_1, window_bounds = array<i64: 128, 128>}, {pipeline_mode = #tpu.pipeline_mode<synchronous>, transform_indices = @transform_2, window_bounds = array<i64: 1, 128>}, {transform_indices = @transform_3, window_bounds = array<i64: 2000, 128>}]} {
    %get3A = arith.constant 0 : index
    %get3A_0 = arith.constant 0 : index
    %get3A_1 = vector.load %arg1[%get3A, %get3A_0] : memref<2000x128xf32, #tpu.memory_space<vmem>>, vector<2000x128xf32>
    %get3A_2 = arith.constant 0 : index
    %get3A_3 = arith.constant 0 : index
    %get3A_4 = vector.load %arg2[%get3A_2, %get3A_3] : memref<128x128xf32, #tpu.memory_space<vmem>>, vector<128x128xf32>
    %dot_general3A = arith.constant dense<0.000000e+00> : vector<2000x128xf32>
    %dot_general3A_5 = tpu.matmul %get3A_1, %get3A_4, %dot_general3A {dimension_numbers = #tpu.dot_dimension_numbers<[1], [0], [0], [1], [0, 0, 1, 1], [], []>, transpose_lhs_hint = false} : vector<2000x128xf32>, vector<128x128xf32>, vector<2000x128xf32> -> vector<2000x128xf32>
    %get3A_6 = arith.constant 0 : index
    %get3A_7 = arith.constant 0 : index
    %get3A_8 = vector.load %arg3[%get3A_6, %get3A_7] : memref<1x128xf32, #tpu.memory_space<vmem>>, vector<1x128xf32>
    %add3A = vector.broadcast %get3A_8 : vector<1x128xf32> to vector<2000x128xf32>
    %add3A_9 = arith.addf %dot_general3A_5, %add3A : vector<2000x128xf32>
    %swap3A = arith.constant 0 : index
    %swap3A_10 = arith.constant 0 : index
    %swap3A_11 = vector.load %arg4[%swap3A, %swap3A_10] : memref<2000x128xf32, #tpu.memory_space<vmem>>, vector<2000x128xf32>
    tpu.vector_store %arg4[%swap3A, %swap3A_10], %add3A_9 {strides = array<i32>} : memref<2000x128xf32, #tpu.memory_space<vmem>>, vector<2000x128xf32>,
    return
  }
  func.func @transform_0(%arg0: i32) -> (i32, i32) {
    %c0_i32 = arith.constant 0 : i32
    %c0_i32_0 = arith.constant 0 : i32
    return %arg0, %c0_i32 : i32, i32
  }
  func.func @transform_1(%arg0: i32) -> (i32, i32) {
    %c0_i32 = arith.constant 0 : i32
    %c0_i32_0 = arith.constant 0 : i32
    %c0_i32_1 = arith.constant 0 : i32
    return %c0_i32, %c0_i32_0 : i32, i32
  }
  func.func @transform_2(%arg0: i32) -> (i32, i32) {
    %c0_i32 = arith.constant 0 : i32
    %c0_i32_0 = arith.constant 0 : i32
    %c0_i32_1 = arith.constant 0 : i32
    return %c0_i32, %c0_i32_0 : i32, i32
  }
  func.func @transform_3(%arg0: i32) -> (i32, i32) {
    %c0_i32 = arith.constant 0 : i32
    %c0_i32_0 = arith.constant 0 : i32
    return %arg0, %c0_i32 : i32, i32
  }
}

module attributes {stable_mosaic.version = 14 : i64} {
  func.func @body(%arg0: i32, %arg1: memref<2000x128xf32, #tpu.memory_space<vmem>>, %arg2: memref<128x128xf32, #tpu.memory_space<vmem>>, %arg3: memref<1x128xf32, #tpu.memory_space<vmem>>, %arg4: memref<5000x128xi32, #tpu.memory_space<vmem>>, %arg5: memref<2000x128xf32, #tpu.memory_space<vmem>>, %arg6: memref<2560x128xi32, #tpu.memory_space<vmem>>, %arg7: memref<2560x128xi32, #tpu.memory_space<vmem>>, %arg8: memref<632x128xf32, #tpu.memory_space<vmem>>) attributes {dimension_semantics = [#tpu.dimension_semantics<arbitrary>], iteration_bounds = array<i64: 5>, scalar_prefetch = 0 : i64, scratch_operands = 0 : i64, tpu.core_type = #tpu.core_type<tc>, window_params = [{transform_indices = @transform_0, window_bounds = array<i64: 2000, 128>}, {pipeline_mode = #tpu.pipeline_mode<synchronous>, transform_indices = @transform_1, window_bounds = array<i64: 128, 128>}, {pipeline_mode = #tpu.pipeline_mode<synchronous>, transform_indices = @transform_2, window_bounds = array<i64: 1, 128>}, {pipeline_mode = #tpu.pipeline_mode<synchronous>, transform_indices = @transform_3, window_bounds = array<i64: 5000, 128>}, {transform_indices = @transform_4, window_bounds = array<i64: 2000, 128>}, {pipeline_mode = #tpu.pipeline_mode<synchronous>, transform_indices = @transform_5, window_bounds = array<i64: 2560, 128>}, {pipeline_mode = #tpu.pipeline_mode<synchronous>, transform_indices = @transform_6, window_bounds = array<i64: 2560, 128>}, {pipeline_mode = #tpu.pipeline_mode<synchronous>, transform_indices = @transform_7, window_bounds = array<i64: 632, 128>}]} {
    %get3A = arith.constant 0 : index
    %get3A_0 = arith.constant 0 : index
    %get3A_1 = vector.load %arg1[%get3A, %get3A_0] : memref<2000x128xf32, #tpu.memory_space<vmem>>, vector<2000x128xf32>
    %get3A_2 = arith.constant 0 : index
    %get3A_3 = arith.constant 0 : index
    %get3A_4 = vector.load %arg2[%get3A_2, %get3A_3] : memref<128x128xf32, #tpu.memory_space<vmem>>, vector<128x128xf32>
    %dot_general3A = arith.constant dense<0.000000e+00> : vector<2000x128xf32>
    %dot_general3A_5 = tpu.matmul %get3A_1, %get3A_4, %dot_general3A {dimension_numbers = #tpu.dot_dimension_numbers<[1], [0], [0], [1], [0, 0, 1, 1], [], []>, transpose_lhs_hint = false} : vector<2000x128xf32>, vector<128x128xf32>, vector<2000x128xf32> -> vector<2000x128xf32>
    %get3A_6 = arith.constant 0 : index
    %get3A_7 = arith.constant 0 : index
    %get3A_8 = vector.load %arg3[%get3A_6, %get3A_7] : memref<1x128xf32, #tpu.memory_space<vmem>>, vector<1x128xf32>
    %add3A = vector.broadcast %get3A_8 : vector<1x128xf32> to vector<2000x128xf32>
    %add3A_9 = arith.addf %dot_general3A_5, %add3A : vector<2000x128xf32>
    %max3A = arith.constant 0.000000e+00 : f32
    %max3A_10 = vector.broadcast %max3A : f32 to vector<2000x128xf32>
    %max3A_11 = arith.maximumf %add3A_9, %max3A_10 : vector<2000x128xf32>
    %swap3A = arith.constant 0 : index
    %swap3A_12 = arith.constant 0 : index
    %swap3A_13 = vector.load %arg5[%swap3A, %swap3A_12] : memref<2000x128xf32, #tpu.memory_space<vmem>>, vector<2000x128xf32>
    tpu.vector_store %arg5[%swap3A, %swap3A_12], %max3A_11 {strides = array<i32>} : memref<2000x128xf32, #tpu.memory_space<vmem>>, vector<2000x128xf32>,
    %eq3A = arith.constant 0 : i32
    %eq3A_14 = arith.cmpi eq, %arg0, %eq3A : i32
    %convert_element_type3A = arith.extui %eq3A_14 : i1 to i32
    %cond3A = arith.constant 0 : i32
    %cond3A_15 = arith.cmpi ne, %convert_element_type3A, %cond3A : i32
    scf.if %cond3A_15 {
      %broadcast_in_dim3A = arith.constant 0.000000e+00 : f32
      %broadcast_in_dim3A_16 = vector.broadcast %broadcast_in_dim3A : f32 to vector<632x128xf32>
      %swap3A_17 = arith.constant 0 : index
      %swap3A_18 = arith.constant 0 : index
      %swap3A_19 = vector.load %arg8[%swap3A_17, %swap3A_18] : memref<632x128xf32, #tpu.memory_space<vmem>>, vector<632x128xf32>
      tpu.vector_store %arg8[%swap3A_17, %swap3A_18], %broadcast_in_dim3A_16 {strides = array<i32>} : memref<632x128xf32, #tpu.memory_space<vmem>>, vector<632x128xf32>,
      %iota3A = tpu.iota {dimensions = array<i32: 0>} : vector<60x128xi32>
      %iota3A_20 = tpu.iota {dimensions = array<i32: 1>} : vector<60x128xi32>
      %mul3A = arith.constant 128 : i32
      %mul3A_21 = vector.broadcast %mul3A : i32 to vector<60x128xi32>
      %mul3A_22 = arith.muli %iota3A, %mul3A_21 : vector<60x128xi32>
      %add3A_23 = arith.addi %mul3A_22, %iota3A_20 : vector<60x128xi32>
      %get3A_24 = arith.constant 0 : index
      %get3A_25 = arith.constant 0 : index
      %get3A_26 = vector.load %arg4[%get3A_24, %get3A_25] : memref<5000x128xi32, #tpu.memory_space<vmem>>, vector<2500x128xi32>
      %swap3A_27 = arith.constant 0 : index
      %swap3A_28 = arith.constant 0 : index
      %swap3A_29 = vector.load %arg6[%swap3A_27, %swap3A_28] : memref<2560x128xi32, #tpu.memory_space<vmem>>, vector<2500x128xi32>
      tpu.vector_store %arg6[%swap3A_27, %swap3A_28], %get3A_26 {strides = array<i32>} : memref<2560x128xi32, #tpu.memory_space<vmem>>, vector<2500x128xi32>,
      %jit3A = arith.constant 10000 : i32
      %eq3A_30 = arith.constant 0 : i32
      %eq3A_31 = arith.cmpi eq, %jit3A, %eq3A_30 : i32
      %jit3A_32 = arith.constant 1 : i32
      %select_n3A = arith.select %eq3A_31, %jit3A_32, %jit3A : i32
      %rem3A = vector.broadcast %select_n3A : i32 to vector<60x128xi32>
      %rem3A_33 = arith.remsi %add3A_23, %rem3A : vector<60x128xi32>
      %ne3A = arith.constant 0 : i32
      %ne3A_34 = vector.broadcast %ne3A : i32 to vector<60x128xi32>
      %ne3A_35 = arith.cmpi ne, %rem3A_33, %ne3A_34 : vector<60x128xi32>
      %lt3A = arith.constant 0 : i32
      %lt3A_36 = vector.broadcast %lt3A : i32 to vector<60x128xi32>
      %lt3A_37 = arith.cmpi slt, %rem3A_33, %lt3A_36 : vector<60x128xi32>
      %lt3A_38 = arith.constant 0 : i32
      %lt3A_39 = arith.cmpi slt, %select_n3A, %lt3A_38 : i32
      %ne3A_40 = vector.broadcast %lt3A_39 : i1 to vector<60x128xi1>
      %ne3A_41 = vector.broadcast %ne3A_40 : vector<60x128xi1> to vector<60x128xi1>
      %ne3A_42 = arith.xori %lt3A_37, %ne3A_41 : vector<60x128xi1>
      %and3A = arith.andi %ne3A_42, %ne3A_35 : vector<60x128xi1>
      %add3A_43 = vector.broadcast %select_n3A : i32 to vector<60x128xi32>
      %add3A_44 = arith.addi %rem3A_33, %add3A_43 : vector<60x128xi32>
      %select_n3A_45 = arith.select %and3A, %add3A_44, %rem3A_33 : vector<60x128xi1>, vector<60x128xi32>
      %swap3A_46 = arith.constant 2500 : index
      %swap3A_47 = arith.constant 0 : index
      %swap3A_48 = vector.load %arg6[%swap3A_46, %swap3A_47] : memref<2560x128xi32, #tpu.memory_space<vmem>>, vector<60x128xi32>
      tpu.vector_store %arg6[%swap3A_46, %swap3A_47], %select_n3A_45 {strides = array<i32>} : memref<2560x128xi32, #tpu.memory_space<vmem>>, vector<60x128xi32>,
      %get3A_49 = arith.constant 2500 : index
      %get3A_50 = arith.constant 0 : index
      %get3A_51 = vector.load %arg4[%get3A_49, %get3A_50] : memref<5000x128xi32, #tpu.memory_space<vmem>>, vector<2500x128xi32>
      %swap3A_52 = arith.constant 0 : index
      %swap3A_53 = arith.constant 0 : index
      %swap3A_54 = vector.load %arg7[%swap3A_52, %swap3A_53] : memref<2560x128xi32, #tpu.memory_space<vmem>>, vector<2500x128xi32>
      tpu.vector_store %arg7[%swap3A_52, %swap3A_53], %get3A_51 {strides = array<i32>} : memref<2560x128xi32, #tpu.memory_space<vmem>>, vector<2500x128xi32>,
      %jit3A_55 = arith.constant 112 : i32
      %eq3A_56 = arith.constant 0 : i32
      %eq3A_57 = arith.cmpi eq, %jit3A_55, %eq3A_56 : i32
      %jit3A_58 = arith.constant 1 : i32
      %select_n3A_59 = arith.select %eq3A_57, %jit3A_58, %jit3A_55 : i32
      %rem3A_60 = vector.broadcast %select_n3A_59 : i32 to vector<60x128xi32>
      %rem3A_61 = arith.remsi %add3A_23, %rem3A_60 : vector<60x128xi32>
      %ne3A_62 = arith.constant 0 : i32
      %ne3A_63 = vector.broadcast %ne3A_62 : i32 to vector<60x128xi32>
      %ne3A_64 = arith.cmpi ne, %rem3A_61, %ne3A_63 : vector<60x128xi32>
      %lt3A_65 = arith.constant 0 : i32
      %lt3A_66 = vector.broadcast %lt3A_65 : i32 to vector<60x128xi32>
      %lt3A_67 = arith.cmpi slt, %rem3A_61, %lt3A_66 : vector<60x128xi32>
      %lt3A_68 = arith.constant 0 : i32
      %lt3A_69 = arith.cmpi slt, %select_n3A_59, %lt3A_68 : i32
      %ne3A_70 = vector.broadcast %lt3A_69 : i1 to vector<60x128xi1>
      %ne3A_71 = vector.broadcast %ne3A_70 : vector<60x128xi1> to vector<60x128xi1>
      %ne3A_72 = arith.xori %lt3A_67, %ne3A_71 : vector<60x128xi1>
      %and3A_73 = arith.andi %ne3A_72, %ne3A_64 : vector<60x128xi1>
      %add3A_74 = vector.broadcast %select_n3A_59 : i32 to vector<60x128xi32>
      %add3A_75 = arith.addi %rem3A_61, %add3A_74 : vector<60x128xi32>
      %select_n3A_76 = arith.select %and3A_73, %add3A_75, %rem3A_61 : vector<60x128xi1>, vector<60x128xi32>
      %add3A_77 = arith.constant 10000 : i32
      %add3A_78 = vector.broadcast %add3A_77 : i32 to vector<60x128xi32>
      %add3A_79 = arith.addi %add3A_78, %select_n3A_76 : vector<60x128xi32>
      %swap3A_80 = arith.constant 2500 : index
      %swap3A_81 = arith.constant 0 : index
      %swap3A_82 = vector.load %arg7[%swap3A_80, %swap3A_81] : memref<2560x128xi32, #tpu.memory_space<vmem>>, vector<60x128xi32>
      tpu.vector_store %arg7[%swap3A_80, %swap3A_81], %add3A_79 {strides = array<i32>} : memref<2560x128xi32, #tpu.memory_space<vmem>>, vector<60x128xi32>,
    } else {
    }
    return
  }
  func.func @transform_0(%arg0: i32) -> (i32, i32) {
    %c0_i32 = arith.constant 0 : i32
    %c0_i32_0 = arith.constant 0 : i32
    return %arg0, %c0_i32 : i32, i32
  }
  func.func @transform_1(%arg0: i32) -> (i32, i32) {
    %c0_i32 = arith.constant 0 : i32
    %c0_i32_0 = arith.constant 0 : i32
    %c0_i32_1 = arith.constant 0 : i32
    return %c0_i32, %c0_i32_0 : i32, i32
  }
  func.func @transform_2(%arg0: i32) -> (i32, i32) {
    %c0_i32 = arith.constant 0 : i32
    %c0_i32_0 = arith.constant 0 : i32
    %c0_i32_1 = arith.constant 0 : i32
    return %c0_i32, %c0_i32_0 : i32, i32
  }
  func.func @transform_3(%arg0: i32) -> (i32, i32) {
    %c0_i32 = arith.constant 0 : i32
    %c0_i32_0 = arith.constant 0 : i32
    %c0_i32_1 = arith.constant 0 : i32
    return %c0_i32, %c0_i32_0 : i32, i32
  }
  func.func @transform_4(%arg0: i32) -> (i32, i32) {
    %c0_i32 = arith.constant 0 : i32
    %c0_i32_0 = arith.constant 0 : i32
    return %arg0, %c0_i32 : i32, i32
  }
  func.func @transform_5(%arg0: i32) -> (i32, i32) {
    %c0_i32 = arith.constant 0 : i32
    %c0_i32_0 = arith.constant 0 : i32
    %c0_i32_1 = arith.constant 0 : i32
    return %c0_i32, %c0_i32_0 : i32, i32
  }
  func.func @transform_6(%arg0: i32) -> (i32, i32) {
    %c0_i32 = arith.constant 0 : i32
    %c0_i32_0 = arith.constant 0 : i32
    %c0_i32_1 = arith.constant 0 : i32
    return %c0_i32, %c0_i32_0 : i32, i32
  }
  func.func @transform_7(%arg0: i32) -> (i32, i32) {
    %c0_i32 = arith.constant 0 : i32
    %c0_i32_0 = arith.constant 0 : i32
    %c0_i32_1 = arith.constant 0 : i32
    return %c0_i32, %c0_i32_0 : i32, i32
  }
}

module attributes {stable_mosaic.version = 14 : i64} {
  func.func @_post_body(%arg0: i32, %arg1: memref<1x2000x128xf32, #tpu.memory_space<vmem>>, %arg2: memref<1x2000x128xf32, #tpu.memory_space<vmem>>, %arg3: memref<2000x128xf32, #tpu.memory_space<vmem>>, %arg4: memref<128x128xf32, #tpu.memory_space<vmem>>, %arg5: memref<2000x128xf32, #tpu.memory_space<vmem>>) attributes {dimension_semantics = [#tpu.dimension_semantics<arbitrary>], iteration_bounds = array<i64: 5>, scalar_prefetch = 0 : i64, scratch_operands = 0 : i64, tpu.core_type = #tpu.core_type<tc>, window_params = [{transform_indices = @transform_0, window_bounds = array<i64: 1, 2000, 128>}, {transform_indices = @transform_1, window_bounds = array<i64: 1, 2000, 128>}, {transform_indices = @transform_2, window_bounds = array<i64: 2000, 128>}, {pipeline_mode = #tpu.pipeline_mode<synchronous>, transform_indices = @transform_3, window_bounds = array<i64: 128, 128>}, {transform_indices = @transform_4, window_bounds = array<i64: 2000, 128>}]} {
    %get3A = arith.constant 0 : index
    %get3A_0 = arith.constant 0 : index
    %get3A_1 = arith.constant 0 : index
    %get3A_2 = vector.load %arg1[%get3A, %get3A_0, %get3A_1] : memref<1x2000x128xf32, #tpu.memory_space<vmem>>, vector<1x2000x128xf32>
    %get3A_3 = vector.shape_cast %get3A_2 : vector<1x2000x128xf32> to vector<2000x128xf32>
    %get3A_4 = arith.constant 0 : index
    %get3A_5 = arith.constant 0 : index
    %get3A_6 = arith.constant 0 : index
    %get3A_7 = vector.load %arg2[%get3A_4, %get3A_5, %get3A_6] : memref<1x2000x128xf32, #tpu.memory_space<vmem>>, vector<1x2000x128xf32>
    %get3A_8 = vector.shape_cast %get3A_7 : vector<1x2000x128xf32> to vector<2000x128xf32>
    %add3A = arith.addf %get3A_3, %get3A_8 : vector<2000x128xf32>
    %get3A_9 = arith.constant 0 : index
    %get3A_10 = arith.constant 0 : index
    %get3A_11 = vector.load %arg4[%get3A_9, %get3A_10] : memref<128x128xf32, #tpu.memory_space<vmem>>, vector<128x128xf32>
    %dot_general3A = arith.constant dense<0.000000e+00> : vector<2000x128xf32>
    %dot_general3A_12 = tpu.matmul %add3A, %get3A_11, %dot_general3A {dimension_numbers = #tpu.dot_dimension_numbers<[1], [0], [0], [1], [0, 0, 1, 1], [], []>, transpose_lhs_hint = false} : vector<2000x128xf32>, vector<128x128xf32>, vector<2000x128xf32> -> vector<2000x128xf32>
    %get3A_13 = arith.constant 0 : index
    %get3A_14 = arith.constant 0 : index
    %get3A_15 = vector.load %arg3[%get3A_13, %get3A_14] : memref<2000x128xf32, #tpu.memory_space<vmem>>, vector<2000x128xf32>
    %add3A_16 = arith.addf %dot_general3A_12, %get3A_15 : vector<2000x128xf32>
    %max3A = arith.constant 0.000000e+00 : f32
    %max3A_17 = vector.broadcast %max3A : f32 to vector<2000x128xf32>
    %max3A_18 = arith.maximumf %add3A_16, %max3A_17 : vector<2000x128xf32>
    %swap3A = arith.constant 0 : index
    %swap3A_19 = arith.constant 0 : index
    %swap3A_20 = vector.load %arg5[%swap3A, %swap3A_19] : memref<2000x128xf32, #tpu.memory_space<vmem>>, vector<2000x128xf32>
    tpu.vector_store %arg5[%swap3A, %swap3A_19], %max3A_18 {strides = array<i32>} : memref<2000x128xf32, #tpu.memory_space<vmem>>, vector<2000x128xf32>,
    return
  }
  func.func @transform_0(%arg0: i32) -> (i32, i32, i32) {
    %c0_i32 = arith.constant 0 : i32
    %c0_i32_0 = arith.constant 0 : i32
    %c0_i32_1 = arith.constant 0 : i32
    return %c0_i32, %arg0, %c0_i32_0 : i32, i32, i32
  }
  func.func @transform_1(%arg0: i32) -> (i32, i32, i32) {
    %c1_i32 = arith.constant 1 : i32
    %c0_i32 = arith.constant 0 : i32
    %c0_i32_0 = arith.constant 0 : i32
    return %c1_i32, %arg0, %c0_i32 : i32, i32, i32
  }
  func.func @transform_2(%arg0: i32) -> (i32, i32) {
    %c0_i32 = arith.constant 0 : i32
    %c0_i32_0 = arith.constant 0 : i32
    return %arg0, %c0_i32 : i32, i32
  }
  func.func @transform_3(%arg0: i32) -> (i32, i32) {
    %c0_i32 = arith.constant 0 : i32
    %c0_i32_0 = arith.constant 0 : i32
    %c0_i32_1 = arith.constant 0 : i32
    return %c0_i32, %c0_i32_0 : i32, i32
  }
  func.func @transform_4(%arg0: i32) -> (i32, i32) {
    %c0_i32 = arith.constant 0 : i32
    %c0_i32_0 = arith.constant 0 : i32
    return %arg0, %c0_i32 : i32, i32
  }
}

</mosaic_0001>

<sc_bundles>
// kernel: kernel.6.cloned.1.call-start
scs
__scs_entry_jumppad:
0x0: {  	(pc) =	sbr.rel $0x88, $3  }
0x1: {  	(tag) =	ssettag $0x0;
	lr =	simm.s32 $0x1  }
0x2: {  	[smem:$0x3F9B] =	sst lr;
	_ =	strace $0xD0000000  }
0x3: {  	_ = 	snop  }
0x4: {  	_ = 	snop  }
0x5: {  	_ = 	snop  }
0x6: {  	_ = 	snop  }
0x7: {  	_ = 	snop  }
__scs_overlays_trampoline_lowered:
0x8: {  	[smem:$0x3FAA] =	sst s0  }
0x9: {  	[smem:$0x3FAB] =	sst s1  }
0xa: {  	[smem:$0x3FAC] =	sst s2  }
0xb: {  	[smem:$0x3FAD] =	sst s3  }
0xc: {  	[smem:$0x3FAE] =	sst s4  }
0xd: {  	[smem:$0x3FAF] =	sst s5  }
0xe: {  	[smem:$0x3FB0] =	sst s6  }
0xf: {  	[smem:$0x3FB1] =	sst s7  }
0x10: {  	[smem:$0x3FB2] =	sst s8  }
0x11: {  	[smem:$0x3FB3] =	sst s9;
	s0 =	simm.s32 @!p0 $0x0  }
0x12: {  	s1 =	sld [smem:$0x3F99];
	s0 =	simm.s32 @p0 $0x1  }
0x13: {  	[smem:$0x3FB4] =	sst s0;
	s0 =	simm.s32 @!p1 $0x0  }
0x14: {  	s2 =	sld [smem:$0x3F98];
	s0 =	simm.s32 @p1 $0x1  }
0x15: {  	[smem:$0x3FB5] =	sst s0;
	s0 =	simm.s32 @!p2 $0x0  }
0x16: {  	s3 =	sld [smem:$0x3FDB];
	s0 =	simm.s32 @p2 $0x1  }
0x17: {  	s4 =	simm.s32 $0x1BF5;
	[smem:$0x3FB7] =	sst s0  }
0x18: {  	s0 =	sld [smem:$0x3F9A];
	_ =	swait.ge [sflag:s4], $0x0  }
0x19: {  	s7 =	sld [smem:$0x3F9B]  }
0x1a: {  	s8 =	sadd.s32 $0xFFFFE003, lr  }
0x1b: {  	s9 =	sadd.s32 $0xFFFFFEF7, lr;
	s5 =	simm.s32 $0xFFFFFFFF;
	p2 =	slt.u32 s8, $0xFFFFF086  }
0x1c: {  	p1 =	slt.u32 s9, $0xF7A;
	s5 =	simm.s32 @!p2 $0x0  }
0x1d: {  	s5 =	simm.s32 @p1 $0x1;
	p0 =	seq.s32 s7, s2  }
0x1e: {  	s7 =	smul.u32 @!p0 $0xF7A, s2;
	p2 =	seq.s32 @!p0 s5, $0x0  }
0x1f: {  	s9 =	smul.u32 $0xF7A, s1;
	s8 =	simm.s32 @!p0 $0x1BF5;
	p2 =	por !p2, p0  }
0x20: {  	[sflag:s8] =	ssyncset.s32 @!p0 $0xFFFFF086;
	s6 =	sadd.s32 @!p0 s3, s7;
	s7 =	simm.s32 @!p0 $0x108  }
0x21: {  	s3 =	sadd.s32 s3, s9;
	s6 =	sadd.s32 @!p0 $0x88, s6;
	s7 =	simm.s32 @p2 $0x1082  }
0x22: {  	[simem:s7], [sflag:s8] =	dma.local @!p0 [hbm:s6], $0xF7A  }
0x23: {  	s9 =	sor.u32 $0xD0000000, s2;
	s6 =	simm.s32 $0x108;
	_ =	swait.ge @!p0 [sflag:s8], $0x0  }
0x24: {  	s3 =	sadd.s32 $0x88, s3;
	s6 =	simm.s32 @!p1 $0x1082;
	[sflag:s4] =	ssyncset.s32 $0xFFFFF086  }
0x25: {  	[simem:s6], [sflag:s4] =	dma.local [hbm:s3], $0xF7A  }
0x26: {  	[smem:$0x3F9B] =	sst s1;
	(tag) =	ssettag s2;
	_ =	strace s9  }
0x27: {  	s1 =	sld [smem:$0x3FAB]  }
0x28: {  	s2 =	sld [smem:$0x3FAC]  }
0x29: {  	s4 =	sld [smem:$0x3FAE]  }
0x2a: {  	p0 =	seq.s32 s5, $0x0;
	s5 =	sld [smem:$0x3FAF]  }
0x2b: {  	s6 =	sld [smem:$0x3FB0]  }
0x2c: {  	s7 =	sld [smem:$0x3FB1]  }
0x2d: {  	s3 =	simm.s32 $0x108;
	s8 =	sld [smem:$0x3FB2]  }
0x2e: {  	s3 =	simm.s32 @!p0 $0x1082;
	s9 =	sld [smem:$0x3FB3]  }
0x2f: {  	lr =	sadd.s32 s0, s3;
	s0 =	sld [smem:$0x3FAA]  }
0x30: {  	s3 =	sld [smem:$0x3FAD]  }
0x31: {  	[smem:$0x3FB6] =	sst s10  }
0x32: {  	s10 =	sld [smem:$0x3FB4];
	_ =	sdelay $0x3  }
0x33: {  	p0 =	seq.s32 s10, $0x1;
	s10 =	sld [smem:$0x3FB6];
	_ =	sdelay $0x3  }
0x34: {  	[smem:$0x3FB6] =	sst s10  }
0x35: {  	s10 =	sld [smem:$0x3FB5];
	_ =	sdelay $0x3  }
0x36: {  	p1 =	seq.s32 s10, $0x1;
	s10 =	sld [smem:$0x3FB6];
	_ =	sdelay $0x3  }
0x37: {  	[smem:$0x3FB6] =	sst s10  }
0x38: {  	s10 =	sld [smem:$0x3FB7]  }
0x39: {  	_ = 	snop;
	(pc) =	sbr.ind lr, $3  }
0x3a: {  	_ = 	snop  }
0x3b: {  	_ = 	snop  }
0x3c: {  	p2 =	seq.s32 s10, $0x1;
	s10 =	sld [smem:$0x3FB6]  }
0x3d: {  	_ =	shalt  }
0x3e: {  	_ =	shalt  }
0x3f: {  	_ =	shalt  }
0x40: {  	_ =	shalt  }
0x41: {  	_ =	shalt  }
0x42: {  	_ =	shalt  }
0x43: {  	_ =	shalt  }
0x44: {  	_ =	shalt  }
0x45: {  	_ =	shalt  }
0x46: {  	_ =	shalt  }
0x47: {  	_ =	shalt  }
0x48: {  	_ =	shalt  }
0x49: {  	_ =	shalt  }
0x4a: {  	_ =	shalt  }
0x4b: {  	_ =	shalt  }
0x4c: {  	_ =	shalt  }
0x4d: {  	_ =	shalt  }
0x4e: {  	_ =	shalt  }
0x4f: {  	_ =	shalt  }
0x50: {  	_ =	shalt  }
0x51: {  	_ =	shalt  }
0x52: {  	_ =	shalt  }
0x53: {  	_ =	shalt  }
0x54: {  	_ =	shalt  }
0x55: {  	_ =	shalt  }
0x56: {  	_ =	shalt  }
0x57: {  	_ =	shalt  }
0x58: {  	_ =	shalt  }
0x59: {  	_ =	shalt  }
0x5a: {  	_ =	shalt  }
0x5b: {  	_ =	shalt  }
0x5c: {  	_ =	shalt  }
0x5d: {  	_ =	shalt  }
0x5e: {  	_ =	shalt  }
0x5f: {  	_ =	shalt  }
0x60: {  	_ =	shalt  }
0x61: {  	_ =	shalt  }
0x62: {  	_ =	shalt  }
0x63: {  	_ =	shalt  }
0x64: {  	_ =	shalt  }
0x65: {  	_ =	shalt  }
0x66: {  	_ =	shalt  }
0x67: {  	_ =	shalt  }
0x68: {  	_ =	shalt  }
0x69: {  	_ =	shalt  }
0x6a: {  	_ =	shalt  }
0x6b: {  	_ =	shalt  }
0x6c: {  	_ =	shalt  }
0x6d: {  	_ =	shalt  }
0x6e: {  	_ =	shalt  }
0x6f: {  	_ =	shalt  }
0x70: {  	_ =	shalt  }
0x71: {  	_ =	shalt  }
0x72: {  	_ =	shalt  }
0x73: {  	_ =	shalt  }
0x74: {  	_ =	shalt  }
0x75: {  	_ =	shalt  }
0x76: {  	_ =	shalt  }
0x77: {  	_ =	shalt  }
0x78: {  	_ =	shalt  }
0x79: {  	_ =	shalt  }
0x7a: {  	_ =	shalt  }
0x7b: {  	_ =	shalt  }
0x7c: {  	_ =	shalt  }
0x7d: {  	_ =	shalt  }
0x7e: {  	_ =	shalt  }
0x7f: {  	_ =	shalt  }
0x80: {  	_ =	shalt  }
0x81: {  	_ =	shalt  }
0x82: {  	_ =	shalt  }
0x83: {  	_ =	shalt  }
0x84: {  	_ =	shalt  }
0x85: {  	_ =	shalt  }
0x86: {  	_ =	shalt  }
0x87: {  	_ =	shalt  }
.Lfunc_end0:
.L_simem_size_0:
called_computation_lowered:
.L_overlay_start_0:
0x88: {  	s2 =	sld [smem:$0x3FD9]  }
0x89: {  	s3 =	sld [smem:$0x3FFE];
	_ =	sdelay $0x1  }
0x8a: {  	s1 =	srdreg.scid  }
0x8b: {  	s0 =	sand.u32 $0x1, s1  }
0x8c: {  	s17 =	sshll.u32 s0, $0xA;
	s2 =	sadd.s32 s3, s2  }
0x8d: {  	s2 =	sadd.s32 s2, s17  }
0x8e: {  	[smem:$0x3FC2] =	sst s2  }
0x8f: {  	_ = 	snop  }
0x90: {  	s2 =	sld [smem:$0x3FD0];
	(tm) =	ssettm $0x1  }
0x91: {  	s18 =	sld [smem:$0x3FFB];
	_ =	sdelay $0x3  }
0x92: {  	_ =	strace s18  }
0x93: {  	s3 =	sld [smem:$0x3FFC];
	_ =	sdelay $0x3  }
0x94: {  	_ =	strace s3  }
0x95: {  	s3 =	sld [smem:$0x3FFD];
	_ =	sdelay $0x3  }
0x96: {  	_ =	strace s3  }
0x97: {  	_ =	strace $0x8FFFFFFF  }
0x98: {  	s19 =	sld [smem:$0x3FDB];
	_ =	sdelay $0x1  }
0x99: {  	s4 =	simm.s32 $_scs_section_size  }
0x9a: {  	s5 =	simm.s32 $_size__tile_overlayer_lowered;
	s6 =	simm.s32 $_tile_overlayer_lowered  }
0x9b: {  	s22 =	simm.s32 $0x1BFF;
	s21 =	sshll.u32 s6, $0x1;
	s3 =	sadd.s32 s4, s19  }
0x9c: {  	s7 =	simm.s32 $0x0;
	s20 =	sshll.u32 s5, $0x1;
	s5 =	sadd.s32 s21, s3  }
0x9d: {  	[timem:s7], [sflag:s22] =	dma.local [hbm:s5], s20  }
0x9e: {  	_ =	swait.ge [sflag:s22], s20  }
0x9f: {  	s4 =	ssub.s32 $0x0, s20;
	[sflag:s22] =	ssyncset.done $0x0  }
0xa0: {  	[sflag:s22] =	ssyncadd.s32 s4;
	_ =	sdelay $0x1  }
0xa1: {  	s23 =	simm.s32 $0x1B8B  }
0xa2: {  	_ =	swait.ge [sflag:s23], $0x1  }
0xa3: {  	[sflag:s23] =	ssyncset.done $0x0  }
0xa4: {  	s25 =	simm.s32 $0x1B8E;
	s24 =	sld [smem:$0x3FFE];
	[sflag:s23] =	ssyncadd.s32 $0xFFFFFFFF  }
0xa5: {  	s26 =	simm.s32 $execute0_lowered;
	[smem:$0x3FD2] =	sst s25  }
0xa6: {  	s5 =	sshll.u32 s26, $0x1;
	_ =	strace $0x80000046;
	[dreg:$0x1] =	wrdreg $0xFFFFFFFF  }
0xa7: {  	s28 =	simm.s32 $_size_execute0_lowered;
	s3 =	sadd.s32 s3, s5;
	[dreg:$0x0] =	wrdreg $0x0  }
0xa8: {  	s5 =	sshll.u32 s28, $0x1;
	[dreg:$0x2] =	wrdreg s3  }
0xa9: {  	[dreg:$0x3] =	wrdreg s5  }
0xaa: {  	[dreg:$0x4] =	wrdreg $0xC0  }
0xab: {  	_ =	task [dreg:s7], $0x5FFFF  }
0xac: {  	[dreg:$0x1] =	wrdreg $0xFFFFFFFF  }
0xad: {  	[dreg:$0x0] =	wrdreg $0x60  }
0xae: {  	[dreg:$0x2] =	wrdreg s2  }
0xaf: {  	[dreg:$0x3] =	wrdreg s24  }
0xb0: {  	[dreg:$0x4] =	wrdreg $0xA8000  }
0xb1: {  	[dreg:$0x5] =	wrdreg $0x9  }
0xb2: {  	_ =	task.clear_ibuf [dreg:s7], $0x6FFFF;
	_ =	strace $0x90000046  }
0xb3: {  	s29 =	simm.s32 $0x9;
	_ =	strace $0x80000048  }
0xb4: {  	_ =	swait.ge [sflag:s29], $0x1  }
0xb5: {  	[sflag:s29] =	ssyncadd.s32 $0xFFFFFFFF  }
0xb6: {  	_ =	strace $0x90000048  }
0xb7: {  	_ =	sfence  }
0xb8: {  	s30 =	sld [smem:$0x0];
	_ =	sdelay $0x2  }
0xb9: {  	s31 =	sshll.u32 s1, $0xD;
	s1 =	sshrl.u32 s1, $0x2  }
0xba: {  	s3 =	sand.u32 $0x4000, s31;
	s1 =	sadd.s32 s1, s30  }
0xbb: {  	s0 =	sor.u32 s3, s0;
	s1 =	sshll.u32 s1, $0x11  }
0xbc: {  	s0 =	sor.u32 s1, s0  }
0xbd: {  	s0 =	sadd.s32 $0x8F2B, s0  }
0xbe: {  	[sflag:s0] =	ssyncadd.remote.s32 $0x1  }
0xbf: {  	_ =	sfence.sel $0xFFFF  }
0xc0: {  	[dreg:$0x0] =	wrdreg $0xFFFFFFFF;
	(pc) =	sbr.abs _section_cstart, $3  }
0xc1: {  	[dreg:$0x1] =	wrdreg $0xFFFFFFFF  }
0xc2: {  	_ =	task.clear_ibuf [dreg:s7], $0x2FFFF;
	_ =	strace $0x9FFFFFFF  }
0xc3: {  	(tm) =	ssettm $0x7FFFFFFF  }
tec
execute0_lowered:
.L_overlay_start_1:
0x0: {  	(tag) =	ssettag $0x1  }
0x1: {  	s1 =	rddreg [dreg:$0x0]  }
0x2: {  	s6 =	rddreg [dreg:$0x1]  }
0x3: {  	s2 =	rddreg [dreg:$0x2]  }
0x4: {  	s3 =	srdreg.scid;
	s0 =	rddreg [dreg:$0x3];
	s4 =	simm.s32 $0x0  }
0x5: {  	s15 =	simm.s32 $0x2800;
	s16 =	simm.s32 $0x6800;
	s19 =	simm.s32 $0x1  }
0x6: {  	s20 =	simm.s32 $0x2;
	s21 =	simm.s32 $0x2700;
	s22 =	simm.s32 $0x2780  }
0x7: {  	s23 =	simm.s32 $0x0;
	s7 =	sand.u32 $0x1, s3;
	s3 =	stileid.u32  }
0x8: {  	[smem:$0x7FF] =	sst s4;
	s9 =	sadd.s32 $0x1C00, s6;
	s5 =	smul.u32 $0x13C000, s7  }
0x9: {  	s11 =	sadd.s32 $0xBC00, s6;
	s8 =	smul.u32 $0x13C00, s3;
	_ =	strace $0x80000047  }
0xa: {  	s10 =	smul.u32 $0x500, s3;
	s12 =	ssub.s32 $0x2, s7;
	p0 =	seq.s32 s7, $0x0  }
0xb: {  	s29 =	smul.u32 $0x4F000, s3;
	s17 =	sshll.u32 s3, $0x6;
	s28 =	sshrl.u32 s12, $0x1  }
0xc: {  	s17 =	sor.u32 $0x1C03, s17;
	s8 =	sadd.s32 s8, s5;
	s5 =	sadd.s32 $0x15C00, s6  }
0xd: {  	s13 =	sadd.s32 $0x5000, s10;
	s12 =	ssub.s32 s12, s28;
	s30 =	sshrl.u32 s29, $0x2  }
0xe: {  	s8 =	sshrl.u32 s8, $0x3;
	s13 =	smov.u32 @p0 s10;
	s18 =	sadd.s32 s30, s2  }
0xf: {  	s14 =	sadd.s32 s8, s6;
	s6 =	sadd.s32 s9, s13;
	s7 =	sadd.s32 s11, s13  }
0x10: {  	s31 =	sadd.s32 $0x280, s13;
	s13 =	simm.s32 $0x1400;
	s18 =	sshrl.u32 s18, $0x3  }
0x11: {  	s8 =	sadd.s32 s9, s31;
	s9 =	sadd.s32 s11, s31;
	s10 =	sadd.s32 $0x18400, s14  }
0x12: {  	s11 =	smax.u32 s12, $0x1;
	s12 =	simm.s32 $0x3;
	s14 =	simm.s32 $0x80  }
.LBB2_1:
0x13: {  	[tilespmem:s4], [sflag:$0x3] =	stream.linear.gather [hbm4b:s6+s4], $0x1400, $0x38;
	[tilespmem:$0x1E400] =	vst v63  }
0x14: {  	_ =	swait.ge [sflag:s12], $0x1400  }
0x15: {  	[sflag:s12] =	ssyncset.done $0x0  }
0x16: {  	[sflag:s12] =	ssyncadd.s32 $0xFFFFEC00  }
0x17: {  	[tilespmem:s13], [sflag:$0x3] =	stream.linear.gather [hbm4b:s7+s4], $0x1400, $0x38;
	[tilespmem:$0x1E400] =	vst v63  }
0x18: {  	_ =	swait.ge [sflag:s12], $0x1400  }
0x19: {  	[sflag:s12] =	ssyncset.done $0x0  }
0x1a: {  	[sflag:s12] =	ssyncadd.s32 $0xFFFFEC00  }
0x1b: {  	[tilespmem:s15], [sflag:$0x1] =	stream.indirect.gather [hbm4b:s1+s14], $0x80, s4, s14, $0xb8;
	[tilespmem:$0x1E400] =	vst v63  }
0x1c: {  	_ = 	snop  }
0x1d: {  	[tilespmem:s16], [sflag:$0x2] =	stream.indirect.gather [hbm4b:s1+s14], $0x80, s14, s14, $0xb8;
	[tilespmem:$0x1E400] =	vst v63  }
0x1e: {  	[spmem:s18], [sflag:s17] =	dma.local [hbm:s5], $0x2780  }
0x1f: {  	_ =	swait.ge [sflag:s12], $0x2780  }
0x20: {  	[sflag:s12] =	ssyncset.done $0x0  }
0x21: {  	[sflag:s12] =	ssyncadd.s32 $0xFFFFD880  }
0x22: {  	[bflag:$0x0] =	sbarrier.arrive $0xFFFF  }
0x23: {  	_ =	swait.ge [sflag:s19], $0x4000  }
0x24: {  	[sflag:s19] =	ssyncset.done $0x0  }
0x25: {  	s24 =	simm.s32 $0x1400;
	[sflag:s19] =	ssyncadd.s32 $0xFFFFC000  }
0x26: {  	[spmem:s2] =	stream.indirect.scatter.add.f32 [tilespmem:s15], [sflag:$0x3], $0x80, s24, s14, $0xb8;
	[tilespmem:$0x1E400] =	vst v63  }
0x27: {  	_ =	swait.ge [sflag:s12], $0x4000  }
0x28: {  	[sflag:s12] =	ssyncset.done $0x0  }
0x29: {  	s30 =	simm.s32 $0x100;
	[sflag:s12] =	ssyncadd.s32 $0xFFFFC000  }
0x2a: {  	[tilespmem:s15], [sflag:$0x1] =	stream.indirect.gather [hbm4b:s1+s14], $0x80, s30, s14, $0xb8;
	[tilespmem:$0x1E400] =	vst v63  }
0x2b: {  	_ =	swait.ge [sflag:s20], $0x4000  }
0x2c: {  	[sflag:s20] =	ssyncset.done $0x0  }
0x2d: {  	s31 =	simm.s32 $0x1480;
	[sflag:s20] =	ssyncadd.s32 $0xFFFFC000  }
0x2e: {  	[spmem:s2] =	stream.indirect.scatter.add.f32 [tilespmem:s16], [sflag:$0x3], $0x80, s31, s14, $0xb8;
	[tilespmem:$0x1E400] =	vst v63  }
0x2f: {  	_ =	swait.ge [sflag:s12], $0x4000  }
0x30: {  	[sflag:s12] =	ssyncset.done $0x0  }
0x31: {  	s25 =	simm.s32 $0x180;
	s24 =	simm.s32 $0x400;
	[sflag:s12] =	ssyncadd.s32 $0xFFFFC000  }
.LBB2_2:
0x32: {  	[tilespmem:s16], [sflag:$0x2] =	stream.indirect.gather [hbm4b:s1+s14], $0x80, s25, s14, $0xb8;
	[tilespmem:$0x1E400] =	vst v63  }
0x33: {  	s25 =	smov.u32 s24  }
0x34: {  	p0 =	sne.s32 s24, $0x4800;
	s24 =	sadd.s32 $0x400, s24;
	_ =	swait.ge [sflag:s19], $0x4000  }
0x35: {  	s25 =	sshra.s32 s25, $0x2;
	[sflag:s19] =	ssyncset.done $0x0  }
0x36: {  	s26 =	sadd.s32 $0x1400, s25;
	[sflag:s19] =	ssyncadd.s32 $0xFFFFC000  }
0x37: {  	[spmem:s2] =	stream.indirect.scatter.add.f32 [tilespmem:s15], [sflag:$0x3], $0x80, s26, s14, $0xb8;
	[tilespmem:$0x1E400] =	vst v63  }
0x38: {  	_ =	swait.ge [sflag:s12], $0x4000  }
0x39: {  	[sflag:s12] =	ssyncset.done $0x0  }
0x3a: {  	s26 =	sadd.s32 $0x100, s25;
	[sflag:s12] =	ssyncadd.s32 $0xFFFFC000  }
0x3b: {  	[tilespmem:s15], [sflag:$0x1] =	stream.indirect.gather [hbm4b:s1+s14], $0x80, s26, s14, $0xb8;
	[tilespmem:$0x1E400] =	vst v63  }
0x3c: {  	_ =	swait.ge [sflag:s20], $0x4000  }
0x3d: {  	[sflag:s20] =	ssyncset.done $0x0  }
.Ltmp0:
0x3e: {  	s26 =	sadd.s32 $0x1480, s25;
	[sflag:s20] =	ssyncadd.s32 $0xFFFFC000;
	(pc) =	sbr.rel @p0 .LBB2_2-.Ltmp0, $4  }
0x3f: {  	[spmem:s2] =	stream.indirect.scatter.add.f32 [tilespmem:s16], [sflag:$0x3], $0x80, s26, s14, $0xb8;
	[tilespmem:$0x1E400] =	vst v63  }
0x40: {  	_ =	swait.ge [sflag:s12], $0x4000  }
0x41: {  	[sflag:s12] =	ssyncset.done $0x0  }
0x42: {  	s25 =	sadd.s32 $0x180, s25;
	[sflag:s12] =	ssyncadd.s32 $0xFFFFC000  }
0x43: {  	[tilespmem:s16], [sflag:$0x2] =	stream.indirect.gather [hbm4b:s1+s14], $0x80, s25, s14, $0xb8;
	[tilespmem:$0x1E400] =	vst v63  }
0x44: {  	_ =	swait.ge [sflag:s19], $0x4000  }
0x45: {  	[sflag:s19] =	ssyncset.done $0x0  }
0x46: {  	[sflag:s19] =	ssyncadd.s32 $0xFFFFC000  }
0x47: {  	[spmem:s2] =	stream.indirect.scatter.add.f32 [tilespmem:s15], [sflag:$0x3], $0x80, s21, s14, $0xb8;
	[tilespmem:$0x1E400] =	vst v63  }
0x48: {  	_ =	swait.ge [sflag:s12], $0x4000  }
0x49: {  	[sflag:s12] =	ssyncset.done $0x0  }
0x4a: {  	[sflag:s12] =	ssyncadd.s32 $0xFFFFC000  }
0x4b: {  	_ =	swait.ge [sflag:s20], $0x4000  }
0x4c: {  	[sflag:s20] =	ssyncset.done $0x0  }
0x4d: {  	[sflag:s20] =	ssyncadd.s32 $0xFFFFC000  }
0x4e: {  	[spmem:s2] =	stream.indirect.scatter.add.f32 [tilespmem:s16], [sflag:$0x3], $0x80, s22, s14, $0xb8;
	[tilespmem:$0x1E400] =	vst v63  }
0x4f: {  	_ =	swait.ge [sflag:s12], $0x4000  }
0x50: {  	[sflag:s12] =	ssyncset.done $0x0  }
0x51: {  	s24 =	simm.s32 $0x0;
	[sflag:s12] =	ssyncadd.s32 $0xFFFFC000  }
0x52: {  	[tilespmem:s24], [sflag:$0x3] =	stream.linear.gather [hbm4b:s8+s24], $0x1400, $0x38;
	[tilespmem:$0x1E400] =	vst v63  }
0x53: {  	_ =	swait.ge [sflag:s12], $0x1400  }
0x54: {  	[sflag:s12] =	ssyncset.done $0x0  }
0x55: {  	[sflag:s12] =	ssyncadd.s32 $0xFFFFEC00  }
0x56: {  	[tilespmem:s13], [sflag:$0x3] =	stream.linear.gather [hbm4b:s9+s24], $0x1400, $0x38;
	[tilespmem:$0x1E400] =	vst v63  }
0x57: {  	_ =	swait.ge [sflag:s12], $0x1400  }
0x58: {  	[sflag:s12] =	ssyncset.done $0x0  }
0x59: {  	[sflag:s12] =	ssyncadd.s32 $0xFFFFEC00  }
0x5a: {  	[tilespmem:s15], [sflag:$0x1] =	stream.indirect.gather [hbm4b:s1+s14], $0x80, s24, s14, $0xb8;
	[tilespmem:$0x1E400] =	vst v63  }
0x5b: {  	_ = 	snop  }
0x5c: {  	[tilespmem:s16], [sflag:$0x2] =	stream.indirect.gather [hbm4b:s1+s14], $0x80, s14, s14, $0xb8;
	[tilespmem:$0x1E400] =	vst v63  }
0x5d: {  	_ =	swait.ge [sflag:s19], $0x4000  }
0x5e: {  	[sflag:s19] =	ssyncset.done $0x0  }
0x5f: {  	s29 =	simm.s32 $0x1400;
	[sflag:s19] =	ssyncadd.s32 $0xFFFFC000  }
0x60: {  	[spmem:s2] =	stream.indirect.scatter.add.f32 [tilespmem:s15], [sflag:$0x3], $0x80, s29, s14, $0xb8;
	[tilespmem:$0x1E400] =	vst v63  }
0x61: {  	_ =	swait.ge [sflag:s12], $0x4000  }
0x62: {  	[sflag:s12] =	ssyncset.done $0x0  }
0x63: {  	s30 =	simm.s32 $0x100;
	[sflag:s12] =	ssyncadd.s32 $0xFFFFC000  }
0x64: {  	[tilespmem:s15], [sflag:$0x1] =	stream.indirect.gather [hbm4b:s1+s14], $0x80, s30, s14, $0xb8;
	[tilespmem:$0x1E400] =	vst v63  }
0x65: {  	_ =	swait.ge [sflag:s20], $0x4000  }
0x66: {  	[sflag:s20] =	ssyncset.done $0x0  }
0x67: {  	s31 =	simm.s32 $0x1480;
	[sflag:s20] =	ssyncadd.s32 $0xFFFFC000  }
0x68: {  	[spmem:s2] =	stream.indirect.scatter.add.f32 [tilespmem:s16], [sflag:$0x3], $0x80, s31, s14, $0xb8;
	[tilespmem:$0x1E400] =	vst v63  }
0x69: {  	_ =	swait.ge [sflag:s12], $0x4000  }
0x6a: {  	[sflag:s12] =	ssyncset.done $0x0  }
0x6b: {  	s25 =	simm.s32 $0x180;
	s24 =	simm.s32 $0x400;
	[sflag:s12] =	ssyncadd.s32 $0xFFFFC000  }
.LBB2_4:
0x6c: {  	[tilespmem:s16], [sflag:$0x2] =	stream.indirect.gather [hbm4b:s1+s14], $0x80, s25, s14, $0xb8;
	[tilespmem:$0x1E400] =	vst v63  }
0x6d: {  	s25 =	smov.u32 s24  }
0x6e: {  	p0 =	sne.s32 s24, $0x4800;
	s24 =	sadd.s32 $0x400, s24;
	_ =	swait.ge [sflag:s19], $0x4000  }
0x6f: {  	s25 =	sshra.s32 s25, $0x2;
	[sflag:s19] =	ssyncset.done $0x0  }
0x70: {  	s26 =	sadd.s32 $0x1400, s25;
	[sflag:s19] =	ssyncadd.s32 $0xFFFFC000  }
0x71: {  	[spmem:s2] =	stream.indirect.scatter.add.f32 [tilespmem:s15], [sflag:$0x3], $0x80, s26, s14, $0xb8;
	[tilespmem:$0x1E400] =	vst v63  }
0x72: {  	_ =	swait.ge [sflag:s12], $0x4000  }
0x73: {  	[sflag:s12] =	ssyncset.done $0x0  }
0x74: {  	s26 =	sadd.s32 $0x100, s25;
	[sflag:s12] =	ssyncadd.s32 $0xFFFFC000  }
0x75: {  	[tilespmem:s15], [sflag:$0x1] =	stream.indirect.gather [hbm4b:s1+s14], $0x80, s26, s14, $0xb8;
	[tilespmem:$0x1E400] =	vst v63  }
0x76: {  	_ =	swait.ge [sflag:s20], $0x4000  }
0x77: {  	[sflag:s20] =	ssyncset.done $0x0  }
.Ltmp1:
0x78: {  	s26 =	sadd.s32 $0x1480, s25;
	[sflag:s20] =	ssyncadd.s32 $0xFFFFC000;
	(pc) =	sbr.rel @p0 .LBB2_4-.Ltmp1, $4  }
0x79: {  	[spmem:s2] =	stream.indirect.scatter.add.f32 [tilespmem:s16], [sflag:$0x3], $0x80, s26, s14, $0xb8;
	[tilespmem:$0x1E400] =	vst v63  }
0x7a: {  	_ =	swait.ge [sflag:s12], $0x4000  }
0x7b: {  	[sflag:s12] =	ssyncset.done $0x0  }
0x7c: {  	s25 =	sadd.s32 $0x180, s25;
	[sflag:s12] =	ssyncadd.s32 $0xFFFFC000  }
0x7d: {  	[tilespmem:s16], [sflag:$0x2] =	stream.indirect.gather [hbm4b:s1+s14], $0x80, s25, s14, $0xb8;
	[tilespmem:$0x1E400] =	vst v63  }
0x7e: {  	_ =	swait.ge [sflag:s19], $0x4000  }
0x7f: {  	[sflag:s19] =	ssyncset.done $0x0  }
0x80: {  	[sflag:s19] =	ssyncadd.s32 $0xFFFFC000  }
0x81: {  	[spmem:s2] =	stream.indirect.scatter.add.f32 [tilespmem:s15], [sflag:$0x3], $0x80, s21, s14, $0xb8;
	[tilespmem:$0x1E400] =	vst v63  }
0x82: {  	_ =	swait.ge [sflag:s12], $0x4000  }
0x83: {  	[sflag:s12] =	ssyncset.done $0x0  }
0x84: {  	[sflag:s12] =	ssyncadd.s32 $0xFFFFC000  }
0x85: {  	_ =	swait.ge [sflag:s20], $0x4000  }
0x86: {  	[sflag:s20] =	ssyncset.done $0x0  }
0x87: {  	[sflag:s20] =	ssyncadd.s32 $0xFFFFC000  }
0x88: {  	[spmem:s2] =	stream.indirect.scatter.add.f32 [tilespmem:s16], [sflag:$0x3], $0x80, s22, s14, $0xb8;
	[tilespmem:$0x1E400] =	vst v63  }
0x89: {  	_ =	swait.ge [sflag:s12], $0x4000  }
0x8a: {  	s23 =	sadd.s32 $0x1, s23;
	[sflag:s12] =	ssyncset.done $0x0  }
0x8b: {  	p0 =	sne.s32 s23, s11;
	[sflag:s12] =	ssyncadd.s32 $0xFFFFC000  }
.Ltmp2:
0x8c: {  	[bflag:$0x0] =	sbarrier.arrive $0xFFFF;
	(pc) =	sbr.rel @p0 .LBB2_1-.Ltmp2, $4  }
0x8d: {  	[hbm:s10], [sflag:s17] =	dma.local [spmem:s18], $0x2780  }
0x8e: {  	_ =	swait.ge [sflag:s12], $0x2780  }
0x8f: {  	[sflag:s12] =	ssyncset.done $0x0  }
0x90: {  	[sflag:s12] =	ssyncadd.s32 $0xFFFFD880  }
0x91: {  	_ =	sfence.sel $0x180000  }
0x92: {  	[bflag:$0x0] =	sbarrier.arrive $0xFFFF  }
0x93: {  	p0 =	sne.s32 s3, $0x0;
	_ =	strace $0x90000047  }
0x94: {  	s0 =	sadd.s32 @!p0 $0x100000, s0;
	[bflag:$0x2] =	sbarrier.arrive $0xFFFF  }
0x95: {  	[sflag:s0] =	ssyncadd.tile.s32 @!p0 $0x1;
	_ =	shalt  }
.Lfunc_end2:
_tile_overlayer_lowered:
.L_overlay_start_2:
0x96: {  	(tag) =	ssettag $0x2  }
0x97: {  	s0 =	rddreg [dreg:$0x0];
	s2 =	stileid.u32  }
0x98: {  	s1 =	rddreg [dreg:$0x1];
	p0 =	sne.s32 s2, $0x0  }
0x99: {  	s3 =	rddreg [dreg:$0x2];
	[bflag:$0x3] =	sbarrier.arrive $0xFFFF;
	s2 =	simm.s32 @!p0 $0x1C03  }
0x9a: {  	[timem:s3], [sflag:s2] =	dma.local @!p0 [hbm:s0], s1  }
0x9b: {  	s0 =	simm.s32 @!p0 $0x3  }
0x9c: {  	_ =	swait.ge @!p0 [sflag:s0], s1  }
0x9d: {  	s1 =	ssub.s32 @!p0 $0x0, s1;
	[sflag:s0] =	ssyncset.done @!p0 $0x0  }
0x9e: {  	[sflag:s0] =	ssyncadd.s32 @!p0 s1  }
0x9f: {  	[bflag:$0x3] =	sbarrier.arrive $0xFFFF  }
0xa0: {  	_ =	shalt  }

</sc_bundles>
